<compile_context>
chip_gen: v7x
topology: tpu7x:2x2x1
jax: 0.10.2.dev20260603
libtpu: 0.0.44.dev20260713+nightly
codegen_flags: <defaults>
</compile_context>

<pallas_src>
import functools

import jax
import jax.numpy as jnp
from jax import lax
from jax.experimental import pallas as pl
from jax.experimental.pallas import tpu as pltpu
from jax.experimental.pallas import tpu_sc as plsc

N = 10000
D = 128
G = 512

NC = 2
NS = 16
NW = NC * NS
LANES = 16
SCAN_CHUNK = 8192
FLUSH = 128
CAP = 2 * FLUSH


@functools.partial(jax.jit, static_argnames=("n_outer", "s_pad", "split"))
def _sc_bucketize(src, dst, *, n_outer, s_pad, split):
    mesh = plsc.VectorSubcoreMesh(core_axis_name="c", subcore_axis_name="s")
    rpw = s_pad // NS if split else s_pad // NW
    e_pad = n_outer * SCAN_CHUNK

    @functools.partial(
        pl.kernel,
        out_type=[
            jax.ShapeDtypeStruct((NW, e_pad), jnp.int32),
            jax.ShapeDtypeStruct((NW, LANES), jnp.int32),
        ],
        mesh=mesh,
        compiler_params=pltpu.CompilerParams(needs_layout_passes=False),
        scratch_types=[
            pltpu.VMEM((SCAN_CHUNK,), jnp.int32),
            pltpu.VMEM((SCAN_CHUNK,), jnp.int32),
            pltpu.VMEM((CAP,), jnp.int32),
            pltpu.VMEM((LANES,), jnp.int32),
            pltpu.SemaphoreType.DMA,
        ],
    )
    def k(src_hbm, dst_hbm, bucket_hbm, counts_hbm,
          src_c, dst_c, pend, cbuf, sem):
        c = lax.axis_index("c")
        s = lax.axis_index("s")
        w = s * NC + c
        lo = (s if split else w) * rpw
        src_lo = c * split
        trash = jnp.int32(rpw * 16384)

        def group(g, carry):
            blk_base, cnt = carry
            off = blk_base + g * LANES
            dv = dst_c[pl.ds(off, LANES)]
            sv = src_c[pl.ds(off, LANES)]
            ld = dv - lo
            m = (ld >= 0) & (ld < rpw)
            if split:
                m = m & (sv >= src_lo) & (sv < src_lo + split)
            cs = plsc.cumsum(m.astype(jnp.int32))
            pos = cs + (cnt - 1)
            plsc.store_scatter(pend, [pos], ld * 16384 + sv, mask=m)
            return (blk_base, cnt + cs[LANES - 1])

        def flush(nch):
            pltpu.async_copy(pend.at[pl.ds(0, FLUSH)],
                             bucket_hbm.at[w, pl.ds(nch * FLUSH, FLUSH)],
                             sem).wait()
            for t in range((CAP - FLUSH) // LANES):
                pend[pl.ds(t * LANES, LANES)] = (
                    pend[pl.ds(FLUSH + t * LANES, LANES)])

        def block(b, carry):
            cnt, nch = carry
            _, cnt = lax.fori_loop(0, FLUSH // LANES, group,
                                   (b * FLUSH, cnt), unroll=8)
            do = cnt >= FLUSH

            @pl.when(do)
            def _():
                flush(nch)

            return (jnp.where(do, cnt - FLUSH, cnt),
                    jnp.where(do, nch + 1, nch))

        def outer(o, carry):
            oe = lax.rem(o + w * (n_outer // NW), n_outer)
            base = oe * SCAN_CHUNK
            cp1 = pltpu.async_copy(src_hbm.at[pl.ds(base, SCAN_CHUNK)],
                                   src_c, sem)
            cp2 = pltpu.async_copy(dst_hbm.at[pl.ds(base, SCAN_CHUNK)],
                                   dst_c, sem)
            cp1.wait()
            cp2.wait()
            return lax.fori_loop(0, SCAN_CHUNK // FLUSH, block, carry)

        cnt, nch = lax.fori_loop(0, n_outer, outer,
                                 (jnp.int32(0), jnp.int32(0)))

        lane = lax.iota(jnp.int32, LANES)
        do_final = (cnt > 0) | (nch == 0)

        @pl.when(do_final)
        def _():
            for g in range(FLUSH // LANES):
                v = pend[pl.ds(g * LANES, LANES)]
                pend[pl.ds(g * LANES, LANES)] = jnp.where(
                    lane + (g * LANES) < cnt, v, trash)
            flush(nch)

        nch = jnp.where(do_final, nch + 1, nch)

        odd = lax.rem(nch, 2) == 1

        @pl.when(odd)
        def _():
            tv = jnp.broadcast_to(trash, (LANES,))
            for g in range(FLUSH // LANES):
                pend[pl.ds(g * LANES, LANES)] = tv
            flush(nch)

        nch = jnp.where(odd, nch + 1, nch)
        cbuf[...] = jnp.broadcast_to(nch, (LANES,))
        pltpu.sync_copy(cbuf, counts_hbm.at[w])

    return k(src, dst)


@functools.partial(jax.jit, static_argnames=("s_pad", "d", "stage_table"))
def _sc_bucket_segsum(table, bucket, counts, *, s_pad, d, stage_table):
    mesh = plsc.VectorSubcoreMesh(core_axis_name="c", subcore_axis_name="s")
    rpw = s_pad // NS if stage_table else s_pad // NW
    kd = d // LANES
    t_rows = table.shape[0]
    half = t_rows // 2
    tchunk = -(-(-(-half // NS)) // 8) * 8

    @functools.partial(
        pl.kernel,
        out_type=jax.ShapeDtypeStruct(
            (NC, s_pad, d) if stage_table else (s_pad, d), jnp.float32),
        mesh=mesh,
        compiler_params=pltpu.CompilerParams(needs_layout_passes=False),
        scratch_types=[
            pltpu.VMEM((2, FLUSH), jnp.int32),
            pltpu.VMEM((2, FLUSH), jnp.int32),
            pltpu.VMEM((2, FLUSH), jnp.int32),
            pltpu.VMEM((2, FLUSH, d), jnp.float32),
            pltpu.VMEM((rpw + 1, d), jnp.float32),
            pltpu.VMEM((LANES,), jnp.int32),
            pltpu.SemaphoreType.DMA,
            pltpu.SemaphoreType.DMA,
            pltpu.SemaphoreType.DMA,
        ] + ([pltpu.VMEM_SHARED((half, d), jnp.float32)]
             if stage_table else []),
    )
    def k(table_hbm, bucket_hbm, counts_hbm, out_hbm,
          pk, sb, lb, rows_v, acc, cbuf, sem_s0, sem_s1, sem_g, *tspm_opt):
        c = lax.axis_index("c")
        s = lax.axis_index("s")
        w = s * NC + c
        lo = (s if stage_table else w) * rpw
        sem_s = (sem_s0, sem_s1)

        if stage_table:
            tspm = tspm_opt[0]
            hbase = c * half
            for i in range(NS):
                off = i * tchunk
                ln = min(tchunk, half - off)
                if ln <= 0:
                    continue

                @pl.when(s == i)
                def _(off=off, ln=ln):
                    pltpu.sync_copy(table_hbm.at[pl.ds(hbase + off, ln)],
                                    tspm.at[pl.ds(off, ln)])
            plsc.subcore_barrier()
            gsrc = tspm
        else:
            gsrc = table_hbm

        zf32 = jnp.zeros((LANES,), jnp.float32)

        def zrow(i, _):
            for kk in range(kd):
                acc[i, pl.ds(kk * LANES, LANES)] = zf32
            return ()

        lax.fori_loop(0, rpw + 1, zrow, ())

        pltpu.sync_copy(counts_hbm.at[w], cbuf)
        nch = cbuf[pl.ds(0, LANES)][0]

        def stage(ch, b):
            cc = jnp.minimum(ch, nch - 1)
            return pltpu.async_copy(
                bucket_hbm.at[w, pl.ds(cc * FLUSH, FLUSH)], pk.at[b],
                sem_s[b])

        def unpack(b):
            for g in range(FLUSH // LANES):
                v = pk[b, pl.ds(g * LANES, LANES)]
                sv = v & 16383
                if stage_table:
                    sv = sv - (c * half)
                sb[b, pl.ds(g * LANES, LANES)] = sv
                lb[b, pl.ds(g * LANES, LANES)] = lax.shift_right_logical(v, 14)

        cols = [lax.iota(jnp.int32, LANES) + kk * LANES for kk in range(kd)]
        bidx = [jnp.broadcast_to(jnp.int32(jj), (LANES,))
                for jj in range(LANES)]

        def accumulate(b):
            def grp_body(gj, _):
                ldvec = lb[b, pl.ds(gj * LANES, LANES)]
                for jj in range(LANES):
                    ridx = ldvec.at[bidx[jj]].get(mode="promise_in_bounds")
                    for kk in range(kd):
                        x = rows_v[b, gj * LANES + jj,
                                   pl.ds(kk * LANES, LANES)]
                        plsc.addupdate_scatter(acc, [ridx, cols[kk]], x)
                return ()

            lax.fori_loop(0, FLUSH // LANES, grp_body, ())

        stage(jnp.int32(0), 0)
        stage(jnp.int32(1), 1)

        def stage_wait(b):
            pltpu.make_async_copy(bucket_hbm.at[w, pl.ds(0, FLUSH)],
                                  pk.at[b], sem_s[b]).wait()

        def pair_body(ch2, _):
            for b in (0, 1):
                ch = 2 * ch2 + b
                stage_wait(b)
                unpack(b)

                @pl.when(ch > 0)
                def _():
                    pltpu.make_async_copy(
                        gsrc.at[sb.at[1 - b]], rows_v.at[1 - b],
                        sem_g).wait()

                pltpu.async_copy(gsrc.at[sb.at[b]], rows_v.at[b], sem_g)
                stage(ch + 2, b)

                @pl.when(ch > 0)
                def _():
                    accumulate(1 - b)
            return ()

        lax.fori_loop(0, lax.shift_right_logical(nch, 1), pair_body, ())

        for b in (0, 1):
            pltpu.make_async_copy(
                bucket_hbm.at[w, pl.ds(0, FLUSH)], pk.at[b], sem_s[b]).wait()
        pltpu.make_async_copy(
            gsrc.at[sb.at[1]], rows_v.at[1], sem_g).wait()
        accumulate(1)

        if stage_table:
            pltpu.sync_copy(acc.at[pl.ds(0, rpw)],
                            out_hbm.at[c, pl.ds(lo, rpw)])
        else:
            pltpu.sync_copy(acc.at[pl.ds(0, rpw)], out_hbm.at[pl.ds(lo, rpw)])

    return k(table, bucket, counts)


def _prep_edges(src, dst, s_rows, split):
    e = src.shape[0]
    n_outer = -(-e // SCAN_CHUNK)
    e_pad = n_outer * SCAN_CHUNK
    s_pad = -(-s_rows // (NW * 8)) * (NW * 8)
    if e_pad != e:
        src = jnp.concatenate([src, jnp.zeros((e_pad - e,), jnp.int32)])
        dst = jnp.concatenate([dst, jnp.full((e_pad - e,), s_pad, jnp.int32)])
    bucket, counts = _sc_bucketize(src, dst, n_outer=n_outer, s_pad=s_pad,
                                   split=split)
    return bucket, counts, s_pad


BN_ROWS = 1000


def _lin_body(x_ref, w_ref, b_ref, o_ref):
    o_ref[...] = (
        jnp.dot(x_ref[...], w_ref[...], preferred_element_type=jnp.float32)
        + b_ref[...]
    )


def _initial_linear(x, w, b):
    return pl.pallas_call(
        _lin_body,
        grid=(N // 2000,),
        in_specs=[
            pl.BlockSpec((2000, D), lambda i: (i, 0)),
            pl.BlockSpec((D, D), lambda i: (0, 0)),
            pl.BlockSpec((1, D), lambda i: (0, 0)),
        ],
        out_specs=pl.BlockSpec((2000, D), lambda i: (i, 0)),
        out_shape=jax.ShapeDtypeStruct((N, D), jnp.float32),
    )(x, w, b.reshape(1, D))


def _layer_body(ag_ref, w1_ref, b1_ref, lng_ref, lnb_ref, w2_ref, b2_ref,
                hpre_ref, stats_ref, acc_ref):
    i = pl.program_id(0)
    a = ag_ref[...]
    t = jnp.dot(a, w1_ref[...], preferred_element_type=jnp.float32) + b1_ref[...]
    mu = jnp.mean(t, axis=1, keepdims=True)
    var = jnp.mean((t - mu) ** 2, axis=1, keepdims=True)
    t = (t - mu) * lax.rsqrt(var + 1e-5) * lng_ref[...] + lnb_ref[...]
    t = jnp.maximum(t, 0.0)
    u = jnp.dot(t, w2_ref[...], preferred_element_type=jnp.float32) + b2_ref[...]
    h = jnp.maximum(u + a, 0.0)
    hpre_ref[...] = h

    @pl.when(i == 0)
    def _():
        acc_ref[...] = jnp.zeros_like(acc_ref)

    acc_ref[0:1] += jnp.sum(h, axis=0, keepdims=True)
    acc_ref[1:2] += jnp.sum(h * h, axis=0, keepdims=True)

    @pl.when(i == pl.num_programs(0) - 1)
    def _():
        stats_ref[...] = acc_ref[...]


def _layer_mlp(aggr, p):
    return pl.pallas_call(
        _layer_body,
        grid=(N // BN_ROWS,),
        in_specs=[
            pl.BlockSpec((BN_ROWS, D), lambda i: (i, 0)),
            pl.BlockSpec((D, 2 * D), lambda i: (0, 0)),
            pl.BlockSpec((1, 2 * D), lambda i: (0, 0)),
            pl.BlockSpec((1, 2 * D), lambda i: (0, 0)),
            pl.BlockSpec((1, 2 * D), lambda i: (0, 0)),
            pl.BlockSpec((2 * D, D), lambda i: (0, 0)),
            pl.BlockSpec((1, D), lambda i: (0, 0)),
        ],
        out_specs=[
            pl.BlockSpec((BN_ROWS, D), lambda i: (i, 0)),
            pl.BlockSpec((2, D), lambda i: (0, 0)),
        ],
        out_shape=[
            jax.ShapeDtypeStruct((N, D), jnp.float32),
            jax.ShapeDtypeStruct((2, D), jnp.float32),
        ],
        scratch_shapes=[pltpu.VMEM((2, D), jnp.float32)],
    )(aggr, p["W1"], p["b1"].reshape(1, -1), p["ln_g"].reshape(1, -1),
      p["ln_b"].reshape(1, -1), p["W2"], p["b2"].reshape(1, -1))


def _bn_body(h_ref, stats_ref, g_ref, b_ref, o_ref):
    m = stats_ref[0:1] * (1.0 / N)
    v = stats_ref[1:2] * (1.0 / N) - m * m
    scale = lax.rsqrt(v + 1e-5) * g_ref[...]
    o_ref[...] = (h_ref[...] - m) * scale + b_ref[...]


def _batchnorm(h_pre, stats, g, b):
    return pl.pallas_call(
        _bn_body,
        grid=(N // 2000,),
        in_specs=[
            pl.BlockSpec((2000, D), lambda i: (i, 0)),
            pl.BlockSpec((2, D), lambda i: (0, 0)),
            pl.BlockSpec((1, D), lambda i: (0, 0)),
            pl.BlockSpec((1, D), lambda i: (0, 0)),
        ],
        out_specs=pl.BlockSpec((2000, D), lambda i: (i, 0)),
        out_shape=jax.ShapeDtypeStruct((N, D), jnp.float32),
    )(h_pre, stats, g.reshape(1, D), b.reshape(1, D))


def kernel(x, edge_index, batch, params):
    src = edge_index[0]
    dst = edge_index[1]

    h = _initial_linear(x, params["W_lin"], params["b_lin"])

    pbk, pcnt, s_pad_g = _prep_edges(jnp.arange(N, dtype=jnp.int32),
                                     batch, G, split=0)
    src, pbk, pcnt = lax.optimization_barrier((src, pbk, pcnt))

    ebk, ecnt, s_pad_n = _prep_edges(src, dst, N, split=0)

    xs = []
    for p in params["layers"]:
        aggr = _sc_bucket_segsum(h, ebk, ecnt, s_pad=s_pad_n, d=D,
                                 stage_table=False)
        h_pre, stats = _layer_mlp(aggr, p)
        h = _batchnorm(h_pre, stats, p["bn_g"], p["bn_b"])
        xs.append(h)

    xcat = jnp.concatenate(xs, axis=1)
    pool = _sc_bucket_segsum(xcat, pbk, pcnt, s_pad=s_pad_g, d=3 * D,
                             stage_table=False)
    return (pool[:G], xcat)

# --- scband reference (transcript-rebuilt; emitter-appended) ---
"""Pipeline reference for scband-base-encoder-46033459479309 (READ-ONLY COPY).

The authoritative reference and input builder live on the scoring server;
editing this copy changes nothing except your own understanding.
"""

import jax, jax.numpy as jnp
import numpy as np

N = 10000
E = 320000
D = 128
L = 3
G = 512


def setup_inputs(seed: int = 0) -> dict:
    key = jax.random.key(seed)
    ks = jax.random.split(key, 8 + L * 8)
    x = jax.random.normal(ks[0], (N, D), dtype=jnp.float32)
    edge_index = jax.random.randint(ks[1], (2, E), 0, N, dtype=jnp.int32)
    batch = jnp.sort(jax.random.randint(ks[2], (N,), 0, G, dtype=jnp.int32))
    params = {
        'W_lin': jax.random.normal(ks[3], (D, D), dtype=jnp.float32) * 0.05,
        'b_lin': jnp.zeros((D,), dtype=jnp.float32),
        'layers': [],
    }
    for i in range(L):
        base = 8 + i * 8
        p = {
            'W1': jax.random.normal(ks[base + 0], (D, 2 * D), dtype=jnp.float32) * 0.05,
            'b1': jnp.zeros((2 * D,), dtype=jnp.float32),
            'ln_g': jnp.ones((2 * D,), dtype=jnp.float32),
            'ln_b': jnp.zeros((2 * D,), dtype=jnp.float32),
            'W2': jax.random.normal(ks[base + 1], (2 * D, D), dtype=jnp.float32) * 0.05,
            'b2': jnp.zeros((D,), dtype=jnp.float32),
            'bn_g': jnp.ones((D,), dtype=jnp.float32),
            'bn_b': jnp.zeros((D,), dtype=jnp.float32),
        }
        params['layers'].append(p)
    return {'x': x, 'edge_index': edge_index, 'batch': batch, 'params': params}


def _forward(x, params, edge_index, batch):
    h = x @ params['W_lin'] + params['b_lin']
    src = edge_index[0]
    dst = edge_index[1]
    xs = []
    for i in range(L):
        p = params['layers'][i]
        # GIN message passing: gather from source nodes, scatter-add into dst
        msg = jnp.take(h, src, axis=0)
        aggr = jax.ops.segment_sum(msg, dst, num_segments=N)
        # update: ffn(aggr) + aggr   with ffn = Linear -> LayerNorm -> ReLU -> Linear
        t = aggr @ p['W1'] + p['b1']
        mu = jnp.mean(t, axis=-1, keepdims=True)
        var = jnp.mean((t - mu) ** 2, axis=-1, keepdims=True)
        t = (t - mu) / jnp.sqrt(var + 1e-5) * p['ln_g'] + p['ln_b']
        t = jax.nn.relu(t)
        t = t @ p['W2'] + p['b2']
        h = t + aggr
        # F.relu after conv
        h = jax.nn.relu(h)
        # BatchNorm1d (training mode: batch statistics, biased variance)
        m = jnp.mean(h, axis=0)
        v = jnp.mean((h - m) ** 2, axis=0)
        h = (h - m) / jnp.sqrt(v + 1e-5) * p['bn_g'] + p['bn_b']
        xs.append(h)
    # global_add_pool per layer
    xpool = [jax.ops.segment_sum(xx, batch, num_segments=G) for xx in xs]
    return (jnp.concatenate(xpool, axis=1), jnp.concatenate(xs, axis=1))


def reference(x, edge_index, batch, params):
    return _forward(x, params, edge_index, batch)

if __name__ == "__main__":
    import jax
    _d = setup_inputs()
    print(jax.jit(kernel)(*tuple(_d.values())))

</pallas_src>

<mosaic_0001>
#map = affine_map<(d0, d1) -> (0)>
#map1 = affine_map<(d0, d1) -> (0, 0)>
module attributes {stable_mosaic.version = 14 : i64} {
  func.func @k(%arg0: i32, %arg1: i32, %arg2: memref<16384xi32, #tpu.memory_space<hbm>>, %arg3: memref<16384xi32, #tpu.memory_space<hbm>>, %arg4: memref<32x16384xi32, #tpu.memory_space<hbm>>, %arg5: memref<32x16xi32, #tpu.memory_space<hbm>>, %arg6: memref<8192xi32, #tpu.memory_space<vmem>>, %arg7: memref<8192xi32, #tpu.memory_space<vmem>>, %arg8: memref<256xi32, #tpu.memory_space<vmem>>, %arg9: memref<16xi32, #tpu.memory_space<vmem>>, %arg10: memref<!tpu.dma_semaphore, #tpu.memory_space<semaphore_mem>>) attributes {dimension_semantics = [#tpu.dimension_semantics<core_parallel>, #tpu.dimension_semantics<subcore_parallel>], iteration_bounds = array<i64: 2, 16>, scalar_prefetch = 0 : i64, scratch_operands = 5 : i64, tpu.core_type = #tpu.core_type<sc_vector_subcore>, window_params = [{transform_indices = #map}, {transform_indices = #map}, {transform_indices = #map1}, {transform_indices = #map1}]} {
    %mul3A = arith.constant 2 : i32
    %mul3A_0 = arith.muli %arg1, %mul3A : i32
    %add3A = arith.addi %mul3A_0, %arg0 : i32
    %mul3A_1 = arith.constant 16 : i32
    %mul3A_2 = arith.muli %add3A, %mul3A_1 : i32
    %mul3A_3 = arith.constant 0 : i32
    %mul3A_4 = arith.muli %arg0, %mul3A_3 : i32
    %scan3A = arith.constant 0 : i32
    %scan3A_5 = arith.constant 0 : i32
    %scan3A_6 = arith.constant 0 : i32
    %scan3A_7 = arith.constant 2 : i32
    %scan3A_8 = arith.addi %scan3A_6, %scan3A_7 : i32
    %scan3A_9 = arith.constant 1 : i32
    %scan3A_10:2 = scf.for %scan3A_29 = %scan3A_6 to %scan3A_8 step %scan3A_9 iter_args(%scan3A_30 = %scan3A, %scan3A_31 = %scan3A_5) -> (i32, i32)  : i32 {
      %mul3A_32 = arith.constant 0 : i32
      %mul3A_33 = arith.muli %add3A, %mul3A_32 : i32
      %add3A_34 = arith.addi %scan3A_29, %mul3A_33 : i32
      %rem3A_35 = arith.constant 2 : i32
      %rem3A_36 = arith.remsi %add3A_34, %rem3A_35 : i32
      %mul3A_37 = arith.constant 8192 : i32
      %mul3A_38 = arith.muli %rem3A_36, %mul3A_37 : i32
      %dma_start3A = tpu.memref_slice %arg2[%mul3A_38] : memref<16384xi32, #tpu.memory_space<hbm>> -> memref<8192xi32, #tpu.memory_space<hbm>>
      %dma_start3A_39 = tpu.memref_slice %arg2[%mul3A_38] : memref<16384xi32, #tpu.memory_space<hbm>> -> memref<8192xi32, #tpu.memory_space<hbm>>
      tpu.enqueue_dma source(%dma_start3A_39 : memref<8192xi32, #tpu.memory_space<hbm>>) target(%arg6 : memref<8192xi32, #tpu.memory_space<vmem>>) target_semaphore(%arg10 : memref<!tpu.dma_semaphore, #tpu.memory_space<semaphore_mem>>)
      %dma_start3A_40 = tpu.memref_slice %arg3[%mul3A_38] : memref<16384xi32, #tpu.memory_space<hbm>> -> memref<8192xi32, #tpu.memory_space<hbm>>
      %dma_start3A_41 = tpu.memref_slice %arg3[%mul3A_38] : memref<16384xi32, #tpu.memory_space<hbm>> -> memref<8192xi32, #tpu.memory_space<hbm>>
      tpu.enqueue_dma source(%dma_start3A_41 : memref<8192xi32, #tpu.memory_space<hbm>>) target(%arg7 : memref<8192xi32, #tpu.memory_space<vmem>>) target_semaphore(%arg10 : memref<!tpu.dma_semaphore, #tpu.memory_space<semaphore_mem>>)
      %dma_wait3A = tpu.memref_slice %arg2[%mul3A_38] : memref<16384xi32, #tpu.memory_space<hbm>> -> memref<8192xi32, #tpu.memory_space<hbm>>
      %dma_wait3A_42 = tpu.memref_slice %arg2[%mul3A_38] : memref<16384xi32, #tpu.memory_space<hbm>> -> memref<8192xi32, #tpu.memory_space<hbm>>
      tpu.wait_dma2 semaphore(%arg10 : memref<!tpu.dma_semaphore, #tpu.memory_space<semaphore_mem>>) src(%dma_wait3A_42 : memref<8192xi32, #tpu.memory_space<hbm>>) dst(%arg6 : memref<8192xi32, #tpu.memory_space<vmem>>)
      %dma_wait3A_43 = tpu.memref_slice %arg3[%mul3A_38] : memref<16384xi32, #tpu.memory_space<hbm>> -> memref<8192xi32, #tpu.memory_space<hbm>>
      %dma_wait3A_44 = tpu.memref_slice %arg3[%mul3A_38] : memref<16384xi32, #tpu.memory_space<hbm>> -> memref<8192xi32, #tpu.memory_space<hbm>>
      tpu.wait_dma2 semaphore(%arg10 : memref<!tpu.dma_semaphore, #tpu.memory_space<semaphore_mem>>) src(%dma_wait3A_44 : memref<8192xi32, #tpu.memory_space<hbm>>) dst(%arg7 : memref<8192xi32, #tpu.memory_space<vmem>>)
      %scan3A_45 = arith.constant 0 : i32
      %scan3A_46 = arith.constant 64 : i32
      %scan3A_47 = arith.addi %scan3A_45, %scan3A_46 : i32
      %scan3A_48 = arith.constant 1 : i32
      %scan3A_49:2 = scf.for %scan3A_51 = %scan3A_45 to %scan3A_47 step %scan3A_48 iter_args(%scan3A_52 = %scan3A_30, %scan3A_53 = %scan3A_31) -> (i32, i32)  : i32 {
        %mul3A_54 = arith.constant 128 : i32
        %mul3A_55 = arith.muli %scan3A_51, %mul3A_54 : i32
        %scan3A_56 = arith.constant 0 : i32
        %mul3A_57 = arith.constant 16 : i32
        %mul3A_58 = arith.muli %scan3A_56, %mul3A_57 : i32
        %add3A_59 = arith.addi %mul3A_55, %mul3A_58 : i32
        %get3A = arith.index_cast %add3A_59 : i32 to index
        %get3A_60 = tpu.vector_load %arg7[%get3A] {strides = array<i32>} : memref<8192xi32, #tpu.memory_space<vmem>>, vector<16xi32>,
        %get3A_61 = arith.index_cast %add3A_59 : i32 to index
        %get3A_62 = tpu.vector_load %arg6[%get3A_61] {strides = array<i32>} : memref<8192xi32, #tpu.memory_space<vmem>>, vector<16xi32>,
        %sub3A = vector.broadcast %mul3A_2 : i32 to vector<16xi32>
        %sub3A_63 = arith.subi %get3A_60, %sub3A : vector<16xi32>
        %ge3A = arith.constant 0 : i32
        %ge3A_64 = vector.broadcast %ge3A : i32 to vector<16xi32>
        %ge3A_65 = arith.cmpi sge, %sub3A_63, %ge3A_64 : vector<16xi32>
        %lt3A = arith.constant 16 : i32
        %lt3A_66 = vector.broadcast %lt3A : i32 to vector<16xi32>
        %lt3A_67 = arith.cmpi slt, %sub3A_63, %lt3A_66 : vector<16xi32>
        %and3A = arith.andi %ge3A_65, %lt3A_67 : vector<16xi1>
        %convert_element_type3A_68 = arith.extui %and3A : vector<16xi1> to vector<16xi32>
        %broadcast_in_dim3A_69 = arith.constant true
        %broadcast_in_dim3A_70 = vector.broadcast %broadcast_in_dim3A_69 : i1 to vector<16xi1>
        %masked_cumsum3A = tpu.scan <sum>, %convert_element_type3A_68 masked %broadcast_in_dim3A_70 : vector<16xi32>, vector<16xi1> -> vector<16xi32>
        %sub3A_71 = arith.constant 1 : i32
        %sub3A_72 = arith.subi %scan3A_52, %sub3A_71 : i32
        %add3A_73 = vector.broadcast %sub3A_72 : i32 to vector<16xi32>
        %add3A_74 = arith.addi %masked_cumsum3A, %add3A_73 : vector<16xi32>
        %mul3A_75 = arith.constant 16384 : i32
        %mul3A_76 = vector.broadcast %mul3A_75 : i32 to vector<16xi32>
        %mul3A_77 = arith.muli %sub3A_63, %mul3A_76 : vector<16xi32>
        %add3A_78 = arith.addi %mul3A_77, %get3A_62 : vector<16xi32>
        tpu.vector_store_idx %arg8[%add3A_74], %add3A_78 masked %and3A : memref<256xi32, #tpu.memory_space<vmem>>[vector<16xi32>], vector<16xi32>, vector<16xi1>
        %slice3A = vector.extract_strided_slice %masked_cumsum3A {offsets = [15], sizes = [1], strides = [1]} : vector<16xi32> to vector<1xi32>
        %squeeze3A = vector.extract %slice3A[0] : i32 from vector<1xi32>
        %add3A_79 = arith.addi %scan3A_52, %squeeze3A : i32
        %scan3A_80 = arith.constant 1 : i32
        %mul3A_81 = arith.constant 16 : i32
        %mul3A_82 = arith.muli %scan3A_80, %mul3A_81 : i32
        %add3A_83 = arith.addi %mul3A_55, %mul3A_82 : i32
        %get3A_84 = arith.index_cast %add3A_83 : i32 to index
        %get3A_85 = tpu.vector_load %arg7[%get3A_84] {strides = array<i32>} : memref<8192xi32, #tpu.memory_space<vmem>>, vector<16xi32>,
        %get3A_86 = arith.index_cast %add3A_83 : i32 to index
        %get3A_87 = tpu.vector_load %arg6[%get3A_86] {strides = array<i32>} : memref<8192xi32, #tpu.memory_space<vmem>>, vector<16xi32>,
        %sub3A_88 = vector.broadcast %mul3A_2 : i32 to vector<16xi32>
        %sub3A_89 = arith.subi %get3A_85, %sub3A_88 : vector<16xi32>
        %ge3A_90 = arith.constant 0 : i32
        %ge3A_91 = vector.broadcast %ge3A_90 : i32 to vector<16xi32>
        %ge3A_92 = arith.cmpi sge, %sub3A_89, %ge3A_91 : vector<16xi32>
        %lt3A_93 = arith.constant 16 : i32
        %lt3A_94 = vector.broadcast %lt3A_93 : i32 to vector<16xi32>
        %lt3A_95 = arith.cmpi slt, %sub3A_89, %lt3A_94 : vector<16xi32>
        %and3A_96 = arith.andi %ge3A_92, %lt3A_95 : vector<16xi1>
        %convert_element_type3A_97 = arith.extui %and3A_96 : vector<16xi1> to vector<16xi32>
        %broadcast_in_dim3A_98 = arith.constant true
        %broadcast_in_dim3A_99 = vector.broadcast %broadcast_in_dim3A_98 : i1 to vector<16xi1>
        %masked_cumsum3A_100 = tpu.scan <sum>, %convert_element_type3A_97 masked %broadcast_in_dim3A_99 : vector<16xi32>, vector<16xi1> -> vector<16xi32>
        %sub3A_101 = arith.constant 1 : i32
        %sub3A_102 = arith.subi %add3A_79, %sub3A_101 : i32
        %add3A_103 = vector.broadcast %sub3A_102 : i32 to vector<16xi32>
        %add3A_104 = arith.addi %masked_cumsum3A_100, %add3A_103 : vector<16xi32>
        %mul3A_105 = arith.constant 16384 : i32
        %mul3A_106 = vector.broadcast %mul3A_105 : i32 to vector<16xi32>
        %mul3A_107 = arith.muli %sub3A_89, %mul3A_106 : vector<16xi32>
        %add3A_108 = arith.addi %mul3A_107, %get3A_87 : vector<16xi32>
        tpu.vector_store_idx %arg8[%add3A_104], %add3A_108 masked %and3A_96 : memref<256xi32, #tpu.memory_space<vmem>>[vector<16xi32>], vector<16xi32>, vector<16xi1>
        %slice3A_109 = vector.extract_strided_slice %masked_cumsum3A_100 {offsets = [15], sizes = [1], strides = [1]} : vector<16xi32> to vector<1xi32>
        %squeeze3A_110 = vector.extract %slice3A_109[0] : i32 from vector<1xi32>
        %add3A_111 = arith.addi %add3A_79, %squeeze3A_110 : i32
        %scan3A_112 = arith.constant 2 : i32
        %mul3A_113 = arith.constant 16 : i32
        %mul3A_114 = arith.muli %scan3A_112, %mul3A_113 : i32
        %add3A_115 = arith.addi %mul3A_55, %mul3A_114 : i32
        %get3A_116 = arith.index_cast %add3A_115 : i32 to index
        %get3A_117 = tpu.vector_load %arg7[%get3A_116] {strides = array<i32>} : memref<8192xi32, #tpu.memory_space<vmem>>, vector<16xi32>,
        %get3A_118 = arith.index_cast %add3A_115 : i32 to index
        %get3A_119 = tpu.vector_load %arg6[%get3A_118] {strides = array<i32>} : memref<8192xi32, #tpu.memory_space<vmem>>, vector<16xi32>,
        %sub3A_120 = vector.broadcast %mul3A_2 : i32 to vector<16xi32>
        %sub3A_121 = arith.subi %get3A_117, %sub3A_120 : vector<16xi32>
        %ge3A_122 = arith.constant 0 : i32
        %ge3A_123 = vector.broadcast %ge3A_122 : i32 to vector<16xi32>
        %ge3A_124 = arith.cmpi sge, %sub3A_121, %ge3A_123 : vector<16xi32>
        %lt3A_125 = arith.constant 16 : i32
        %lt3A_126 = vector.broadcast %lt3A_125 : i32 to vector<16xi32>
        %lt3A_127 = arith.cmpi slt, %sub3A_121, %lt3A_126 : vector<16xi32>
        %and3A_128 = arith.andi %ge3A_124, %lt3A_127 : vector<16xi1>
        %convert_element_type3A_129 = arith.extui %and3A_128 : vector<16xi1> to vector<16xi32>
        %broadcast_in_dim3A_130 = arith.constant true
        %broadcast_in_dim3A_131 = vector.broadcast %broadcast_in_dim3A_130 : i1 to vector<16xi1>
        %masked_cumsum3A_132 = tpu.scan <sum>, %convert_element_type3A_129 masked %broadcast_in_dim3A_131 : vector<16xi32>, vector<16xi1> -> vector<16xi32>
        %sub3A_133 = arith.constant 1 : i32
        %sub3A_134 = arith.subi %add3A_111, %sub3A_133 : i32
        %add3A_135 = vector.broadcast %sub3A_134 : i32 to vector<16xi32>
        %add3A_136 = arith.addi %masked_cumsum3A_132, %add3A_135 : vector<16xi32>
        %mul3A_137 = arith.constant 16384 : i32
        %mul3A_138 = vector.broadcast %mul3A_137 : i32 to vector<16xi32>
        %mul3A_139 = arith.muli %sub3A_121, %mul3A_138 : vector<16xi32>
        %add3A_140 = arith.addi %mul3A_139, %get3A_119 : vector<16xi32>
        tpu.vector_store_idx %arg8[%add3A_136], %add3A_140 masked %and3A_128 : memref<256xi32, #tpu.memory_space<vmem>>[vector<16xi32>], vector<16xi32>, vector<16xi1>
        %slice3A_141 = vector.extract_strided_slice %masked_cumsum3A_132 {offsets = [15], sizes = [1], strides = [1]} : vector<16xi32> to vector<1xi32>
        %squeeze3A_142 = vector.extract %slice3A_141[0] : i32 from vector<1xi32>
        %add3A_143 = arith.addi %add3A_111, %squeeze3A_142 : i32
        %scan3A_144 = arith.constant 3 : i32
        %mul3A_145 = arith.constant 16 : i32
        %mul3A_146 = arith.muli %scan3A_144, %mul3A_145 : i32
        %add3A_147 = arith.addi %mul3A_55, %mul3A_146 : i32
        %get3A_148 = arith.index_cast %add3A_147 : i32 to index
        %get3A_149 = tpu.vector_load %arg7[%get3A_148] {strides = array<i32>} : memref<8192xi32, #tpu.memory_space<vmem>>, vector<16xi32>,
        %get3A_150 = arith.index_cast %add3A_147 : i32 to index
        %get3A_151 = tpu.vector_load %arg6[%get3A_150] {strides = array<i32>} : memref<8192xi32, #tpu.memory_space<vmem>>, vector<16xi32>,
        %sub3A_152 = vector.broadcast %mul3A_2 : i32 to vector<16xi32>
        %sub3A_153 = arith.subi %get3A_149, %sub3A_152 : vector<16xi32>
        %ge3A_154 = arith.constant 0 : i32
        %ge3A_155 = vector.broadcast %ge3A_154 : i32 to vector<16xi32>
        %ge3A_156 = arith.cmpi sge, %sub3A_153, %ge3A_155 : vector<16xi32>
        %lt3A_157 = arith.constant 16 : i32
        %lt3A_158 = vector.broadcast %lt3A_157 : i32 to vector<16xi32>
        %lt3A_159 = arith.cmpi slt, %sub3A_153, %lt3A_158 : vector<16xi32>
        %and3A_160 = arith.andi %ge3A_156, %lt3A_159 : vector<16xi1>
        %convert_element_type3A_161 = arith.extui %and3A_160 : vector<16xi1> to vector<16xi32>
        %broadcast_in_dim3A_162 = arith.constant true
        %broadcast_in_dim3A_163 = vector.broadcast %broadcast_in_dim3A_162 : i1 to vector<16xi1>
        %masked_cumsum3A_164 = tpu.scan <sum>, %convert_element_type3A_161 masked %broadcast_in_dim3A_163 : vector<16xi32>, vector<16xi1> -> vector<16xi32>
        %sub3A_165 = arith.constant 1 : i32
        %sub3A_166 = arith.subi %add3A_143, %sub3A_165 : i32
        %add3A_167 = vector.broadcast %sub3A_166 : i32 to vector<16xi32>
        %add3A_168 = arith.addi %masked_cumsum3A_164, %add3A_167 : vector<16xi32>
        %mul3A_169 = arith.constant 16384 : i32
        %mul3A_170 = vector.broadcast %mul3A_169 : i32 to vector<16xi32>
        %mul3A_171 = arith.muli %sub3A_153, %mul3A_170 : vector<16xi32>
        %add3A_172 = arith.addi %mul3A_171, %get3A_151 : vector<16xi32>
        tpu.vector_store_idx %arg8[%add3A_168], %add3A_172 masked %and3A_160 : memref<256xi32, #tpu.memory_space<vmem>>[vector<16xi32>], vector<16xi32>, vector<16xi1>
        %slice3A_173 = vector.extract_strided_slice %masked_cumsum3A_164 {offsets = [15], sizes = [1], strides = [1]} : vector<16xi32> to vector<1xi32>
        %squeeze3A_174 = vector.extract %slice3A_173[0] : i32 from vector<1xi32>
        %add3A_175 = arith.addi %add3A_143, %squeeze3A_174 : i32
        %scan3A_176 = arith.constant 4 : i32
        %mul3A_177 = arith.constant 16 : i32
        %mul3A_178 = arith.muli %scan3A_176, %mul3A_177 : i32
        %add3A_179 = arith.addi %mul3A_55, %mul3A_178 : i32
        %get3A_180 = arith.index_cast %add3A_179 : i32 to index
        %get3A_181 = tpu.vector_load %arg7[%get3A_180] {strides = array<i32>} : memref<8192xi32, #tpu.memory_space<vmem>>, vector<16xi32>,
        %get3A_182 = arith.index_cast %add3A_179 : i32 to index
        %get3A_183 = tpu.vector_load %arg6[%get3A_182] {strides = array<i32>} : memref<8192xi32, #tpu.memory_space<vmem>>, vector<16xi32>,
        %sub3A_184 = vector.broadcast %mul3A_2 : i32 to vector<16xi32>
        %sub3A_185 = arith.subi %get3A_181, %sub3A_184 : vector<16xi32>
        %ge3A_186 = arith.constant 0 : i32
        %ge3A_187 = vector.broadcast %ge3A_186 : i32 to vector<16xi32>
        %ge3A_188 = arith.cmpi sge, %sub3A_185, %ge3A_187 : vector<16xi32>
        %lt3A_189 = arith.constant 16 : i32
        %lt3A_190 = vector.broadcast %lt3A_189 : i32 to vector<16xi32>
        %lt3A_191 = arith.cmpi slt, %sub3A_185, %lt3A_190 : vector<16xi32>
        %and3A_192 = arith.andi %ge3A_188, %lt3A_191 : vector<16xi1>
        %convert_element_type3A_193 = arith.extui %and3A_192 : vector<16xi1> to vector<16xi32>
        %broadcast_in_dim3A_194 = arith.constant true
        %broadcast_in_dim3A_195 = vector.broadcast %broadcast_in_dim3A_194 : i1 to vector<16xi1>
        %masked_cumsum3A_196 = tpu.scan <sum>, %convert_element_type3A_193 masked %broadcast_in_dim3A_195 : vector<16xi32>, vector<16xi1> -> vector<16xi32>
        %sub3A_197 = arith.constant 1 : i32
        %sub3A_198 = arith.subi %add3A_175, %sub3A_197 : i32
        %add3A_199 = vector.broadcast %sub3A_198 : i32 to vector<16xi32>
        %add3A_200 = arith.addi %masked_cumsum3A_196, %add3A_199 : vector<16xi32>
        %mul3A_201 = arith.constant 16384 : i32
        %mul3A_202 = vector.broadcast %mul3A_201 : i32 to vector<16xi32>
        %mul3A_203 = arith.muli %sub3A_185, %mul3A_202 : vector<16xi32>
        %add3A_204 = arith.addi %mul3A_203, %get3A_183 : vector<16xi32>
        tpu.vector_store_idx %arg8[%add3A_200], %add3A_204 masked %and3A_192 : memref<256xi32, #tpu.memory_space<vmem>>[vector<16xi32>], vector<16xi32>, vector<16xi1>
        %slice3A_205 = vector.extract_strided_slice %masked_cumsum3A_196 {offsets = [15], sizes = [1], strides = [1]} : vector<16xi32> to vector<1xi32>
        %squeeze3A_206 = vector.extract %slice3A_205[0] : i32 from vector<1xi32>
        %add3A_207 = arith.addi %add3A_175, %squeeze3A_206 : i32
        %scan3A_208 = arith.constant 5 : i32
        %mul3A_209 = arith.constant 16 : i32
        %mul3A_210 = arith.muli %scan3A_208, %mul3A_209 : i32
        %add3A_211 = arith.addi %mul3A_55, %mul3A_210 : i32
        %get3A_212 = arith.index_cast %add3A_211 : i32 to index
        %get3A_213 = tpu.vector_load %arg7[%get3A_212] {strides = array<i32>} : memref<8192xi32, #tpu.memory_space<vmem>>, vector<16xi32>,
        %get3A_214 = arith.index_cast %add3A_211 : i32 to index
        %get3A_215 = tpu.vector_load %arg6[%get3A_214] {strides = array<i32>} : memref<8192xi32, #tpu.memory_space<vmem>>, vector<16xi32>,
        %sub3A_216 = vector.broadcast %mul3A_2 : i32 to vector<16xi32>
        %sub3A_217 = arith.subi %get3A_213, %sub3A_216 : vector<16xi32>
        %ge3A_218 = arith.constant 0 : i32
        %ge3A_219 = vector.broadcast %ge3A_218 : i32 to vector<16xi32>
        %ge3A_220 = arith.cmpi sge, %sub3A_217, %ge3A_219 : vector<16xi32>
        %lt3A_221 = arith.constant 16 : i32
        %lt3A_222 = vector.broadcast %lt3A_221 : i32 to vector<16xi32>
        %lt3A_223 = arith.cmpi slt, %sub3A_217, %lt3A_222 : vector<16xi32>
        %and3A_224 = arith.andi %ge3A_220, %lt3A_223 : vector<16xi1>
        %convert_element_type3A_225 = arith.extui %and3A_224 : vector<16xi1> to vector<16xi32>
        %broadcast_in_dim3A_226 = arith.constant true
        %broadcast_in_dim3A_227 = vector.broadcast %broadcast_in_dim3A_226 : i1 to vector<16xi1>
        %masked_cumsum3A_228 = tpu.scan <sum>, %convert_element_type3A_225 masked %broadcast_in_dim3A_227 : vector<16xi32>, vector<16xi1> -> vector<16xi32>
        %sub3A_229 = arith.constant 1 : i32
        %sub3A_230 = arith.subi %add3A_207, %sub3A_229 : i32
        %add3A_231 = vector.broadcast %sub3A_230 : i32 to vector<16xi32>
        %add3A_232 = arith.addi %masked_cumsum3A_228, %add3A_231 : vector<16xi32>
        %mul3A_233 = arith.constant 16384 : i32
        %mul3A_234 = vector.broadcast %mul3A_233 : i32 to vector<16xi32>
        %mul3A_235 = arith.muli %sub3A_217, %mul3A_234 : vector<16xi32>
        %add3A_236 = arith.addi %mul3A_235, %get3A_215 : vector<16xi32>
        tpu.vector_store_idx %arg8[%add3A_232], %add3A_236 masked %and3A_224 : memref<256xi32, #tpu.memory_space<vmem>>[vector<16xi32>], vector<16xi32>, vector<16xi1>
        %slice3A_237 = vector.extract_strided_slice %masked_cumsum3A_228 {offsets = [15], sizes = [1], strides = [1]} : vector<16xi32> to vector<1xi32>
        %squeeze3A_238 = vector.extract %slice3A_237[0] : i32 from vector<1xi32>
        %add3A_239 = arith.addi %add3A_207, %squeeze3A_238 : i32
        %scan3A_240 = arith.constant 6 : i32
        %mul3A_241 = arith.constant 16 : i32
        %mul3A_242 = arith.muli %scan3A_240, %mul3A_241 : i32
        %add3A_243 = arith.addi %mul3A_55, %mul3A_242 : i32
        %get3A_244 = arith.index_cast %add3A_243 : i32 to index
        %get3A_245 = tpu.vector_load %arg7[%get3A_244] {strides = array<i32>} : memref<8192xi32, #tpu.memory_space<vmem>>, vector<16xi32>,
        %get3A_246 = arith.index_cast %add3A_243 : i32 to index
        %get3A_247 = tpu.vector_load %arg6[%get3A_246] {strides = array<i32>} : memref<8192xi32, #tpu.memory_space<vmem>>, vector<16xi32>,
        %sub3A_248 = vector.broadcast %mul3A_2 : i32 to vector<16xi32>
        %sub3A_249 = arith.subi %get3A_245, %sub3A_248 : vector<16xi32>
        %ge3A_250 = arith.constant 0 : i32
        %ge3A_251 = vector.broadcast %ge3A_250 : i32 to vector<16xi32>
        %ge3A_252 = arith.cmpi sge, %sub3A_249, %ge3A_251 : vector<16xi32>
        %lt3A_253 = arith.constant 16 : i32
        %lt3A_254 = vector.broadcast %lt3A_253 : i32 to vector<16xi32>
        %lt3A_255 = arith.cmpi slt, %sub3A_249, %lt3A_254 : vector<16xi32>
        %and3A_256 = arith.andi %ge3A_252, %lt3A_255 : vector<16xi1>
        %convert_element_type3A_257 = arith.extui %and3A_256 : vector<16xi1> to vector<16xi32>
        %broadcast_in_dim3A_258 = arith.constant true
        %broadcast_in_dim3A_259 = vector.broadcast %broadcast_in_dim3A_258 : i1 to vector<16xi1>
        %masked_cumsum3A_260 = tpu.scan <sum>, %convert_element_type3A_257 masked %broadcast_in_dim3A_259 : vector<16xi32>, vector<16xi1> -> vector<16xi32>
        %sub3A_261 = arith.constant 1 : i32
        %sub3A_262 = arith.subi %add3A_239, %sub3A_261 : i32
        %add3A_263 = vector.broadcast %sub3A_262 : i32 to vector<16xi32>
        %add3A_264 = arith.addi %masked_cumsum3A_260, %add3A_263 : vector<16xi32>
        %mul3A_265 = arith.constant 16384 : i32
        %mul3A_266 = vector.broadcast %mul3A_265 : i32 to vector<16xi32>
        %mul3A_267 = arith.muli %sub3A_249, %mul3A_266 : vector<16xi32>
        %add3A_268 = arith.addi %mul3A_267, %get3A_247 : vector<16xi32>
        tpu.vector_store_idx %arg8[%add3A_264], %add3A_268 masked %and3A_256 : memref<256xi32, #tpu.memory_space<vmem>>[vector<16xi32>], vector<16xi32>, vector<16xi1>
        %slice3A_269 = vector.extract_strided_slice %masked_cumsum3A_260 {offsets = [15], sizes = [1], strides = [1]} : vector<16xi32> to vector<1xi32>
        %squeeze3A_270 = vector.extract %slice3A_269[0] : i32 from vector<1xi32>
        %add3A_271 = arith.addi %add3A_239, %squeeze3A_270 : i32
        %scan3A_272 = arith.constant 7 : i32
        %mul3A_273 = arith.constant 16 : i32
        %mul3A_274 = arith.muli %scan3A_272, %mul3A_273 : i32
        %add3A_275 = arith.addi %mul3A_55, %mul3A_274 : i32
        %get3A_276 = arith.index_cast %add3A_275 : i32 to index
        %get3A_277 = tpu.vector_load %arg7[%get3A_276] {strides = array<i32>} : memref<8192xi32, #tpu.memory_space<vmem>>, vector<16xi32>,
        %get3A_278 = arith.index_cast %add3A_275 : i32 to index
        %get3A_279 = tpu.vector_load %arg6[%get3A_278] {strides = array<i32>} : memref<8192xi32, #tpu.memory_space<vmem>>, vector<16xi32>,
        %sub3A_280 = vector.broadcast %mul3A_2 : i32 to vector<16xi32>
        %sub3A_281 = arith.subi %get3A_277, %sub3A_280 : vector<16xi32>
        %ge3A_282 = arith.constant 0 : i32
        %ge3A_283 = vector.broadcast %ge3A_282 : i32 to vector<16xi32>
        %ge3A_284 = arith.cmpi sge, %sub3A_281, %ge3A_283 : vector<16xi32>
        %lt3A_285 = arith.constant 16 : i32
        %lt3A_286 = vector.broadcast %lt3A_285 : i32 to vector<16xi32>
        %lt3A_287 = arith.cmpi slt, %sub3A_281, %lt3A_286 : vector<16xi32>
        %and3A_288 = arith.andi %ge3A_284, %lt3A_287 : vector<16xi1>
        %convert_element_type3A_289 = arith.extui %and3A_288 : vector<16xi1> to vector<16xi32>
        %broadcast_in_dim3A_290 = arith.constant true
        %broadcast_in_dim3A_291 = vector.broadcast %broadcast_in_dim3A_290 : i1 to vector<16xi1>
        %masked_cumsum3A_292 = tpu.scan <sum>, %convert_element_type3A_289 masked %broadcast_in_dim3A_291 : vector<16xi32>, vector<16xi1> -> vector<16xi32>
        %sub3A_293 = arith.constant 1 : i32
        %sub3A_294 = arith.subi %add3A_271, %sub3A_293 : i32
        %add3A_295 = vector.broadcast %sub3A_294 : i32 to vector<16xi32>
        %add3A_296 = arith.addi %masked_cumsum3A_292, %add3A_295 : vector<16xi32>
        %mul3A_297 = arith.constant 16384 : i32
        %mul3A_298 = vector.broadcast %mul3A_297 : i32 to vector<16xi32>
        %mul3A_299 = arith.muli %sub3A_281, %mul3A_298 : vector<16xi32>
        %add3A_300 = arith.addi %mul3A_299, %get3A_279 : vector<16xi32>
        tpu.vector_store_idx %arg8[%add3A_296], %add3A_300 masked %and3A_288 : memref<256xi32, #tpu.memory_space<vmem>>[vector<16xi32>], vector<16xi32>, vector<16xi1>
        %slice3A_301 = vector.extract_strided_slice %masked_cumsum3A_292 {offsets = [15], sizes = [1], strides = [1]} : vector<16xi32> to vector<1xi32>
        %squeeze3A_302 = vector.extract %slice3A_301[0] : i32 from vector<1xi32>
        %add3A_303 = arith.addi %add3A_271, %squeeze3A_302 : i32
        %scan3A_304 = arith.constant 8 : i32
        %ge3A_305 = arith.constant 128 : i32
        %ge3A_306 = arith.cmpi sge, %add3A_303, %ge3A_305 : i32
        %convert_element_type3A_307 = arith.extui %ge3A_306 : i1 to i32
        %cond3A_308 = arith.constant 0 : i32
        %cond3A_309 = arith.cmpi ne, %convert_element_type3A_307, %cond3A_308 : i32
        scf.if %cond3A_309 {
          %mul3A_316 = arith.constant 128 : i32
          %mul3A_317 = arith.muli %scan3A_53, %mul3A_316 : i32
          %dma_start3A_318 = arith.constant 0 : i32
          %dma_start3A_319 = tpu.memref_slice %arg8[%dma_start3A_318] : memref<256xi32, #tpu.memory_space<vmem>> -> memref<128xi32, #tpu.memory_space<vmem>>
          %dma_start3A_320 = tpu.memref_slice %arg4[%add3A, %mul3A_317] : memref<32x16384xi32, #tpu.memory_space<hbm>> -> memref<1x128xi32, #tpu.memory_space<hbm>>
          %dma_start3A_321 = tpu.memref_squeeze %dma_start3A_320 : memref<1x128xi32, #tpu.memory_space<hbm>> -> memref<128xi32, #tpu.memory_space<hbm>>
          %dma_start3A_322 = tpu.memref_slice %arg4[%add3A, %mul3A_317] : memref<32x16384xi32, #tpu.memory_space<hbm>> -> memref<1x128xi32, #tpu.memory_space<hbm>>
          %dma_start3A_323 = tpu.memref_squeeze %dma_start3A_322 : memref<1x128xi32, #tpu.memory_space<hbm>> -> memref<128xi32, #tpu.memory_space<hbm>>
          %dma_start3A_324 = arith.constant 0 : i32
          %dma_start3A_325 = tpu.memref_slice %arg8[%dma_start3A_324] : memref<256xi32, #tpu.memory_space<vmem>> -> memref<128xi32, #tpu.memory_space<vmem>>
          tpu.enqueue_dma source(%dma_start3A_325 : memref<128xi32, #tpu.memory_space<vmem>>) target(%dma_start3A_323 : memref<128xi32, #tpu.memory_space<hbm>>) target_semaphore(%arg10 : memref<!tpu.dma_semaphore, #tpu.memory_space<semaphore_mem>>)
          %dma_wait3A_326 = arith.constant 0 : i32
          %dma_wait3A_327 = tpu.memref_slice %arg8[%dma_wait3A_326] : memref<256xi32, #tpu.memory_space<vmem>> -> memref<128xi32, #tpu.memory_space<vmem>>
          %dma_wait3A_328 = tpu.memref_slice %arg4[%add3A, %mul3A_317] : memref<32x16384xi32, #tpu.memory_space<hbm>> -> memref<1x128xi32, #tpu.memory_space<hbm>>
          %dma_wait3A_329 = tpu.memref_squeeze %dma_wait3A_328 : memref<1x128xi32, #tpu.memory_space<hbm>> -> memref<128xi32, #tpu.memory_space<hbm>>
          %dma_wait3A_330 = tpu.memref_slice %arg4[%add3A, %mul3A_317] : memref<32x16384xi32, #tpu.memory_space<hbm>> -> memref<1x128xi32, #tpu.memory_space<hbm>>
          %dma_wait3A_331 = tpu.memref_squeeze %dma_wait3A_330 : memref<1x128xi32, #tpu.memory_space<hbm>> -> memref<128xi32, #tpu.memory_space<hbm>>
          %dma_wait3A_332 = arith.constant 0 : i32
          %dma_wait3A_333 = tpu.memref_slice %arg8[%dma_wait3A_332] : memref<256xi32, #tpu.memory_space<vmem>> -> memref<128xi32, #tpu.memory_space<vmem>>
          tpu.wait_dma2 semaphore(%arg10 : memref<!tpu.dma_semaphore, #tpu.memory_space<semaphore_mem>>) src(%dma_wait3A_333 : memref<128xi32, #tpu.memory_space<vmem>>) dst(%dma_wait3A_331 : memref<128xi32, #tpu.memory_space<hbm>>)
          %get3A_334 = arith.constant 128 : index
          %get3A_335 = tpu.vector_load %arg8[%get3A_334] {strides = array<i32>} : memref<256xi32, #tpu.memory_space<vmem>>, vector<16xi32>,
          %swap3A_336 = arith.constant 0 : index
          %swap3A_337 = tpu.vector_load %arg8[%swap3A_336] {strides = array<i32>} : memref<256xi32, #tpu.memory_space<vmem>>, vector<16xi32>,
          tpu.vector_store %arg8[%swap3A_336], %get3A_335 {strides = array<i32>} : memref<256xi32, #tpu.memory_space<vmem>>, vector<16xi32>,
          %get3A_338 = arith.constant 144 : index
          %get3A_339 = tpu.vector_load %arg8[%get3A_338] {strides = array<i32>} : memref<256xi32, #tpu.memory_space<vmem>>, vector<16xi32>,
          %swap3A_340 = arith.constant 16 : index
          %swap3A_341 = tpu.vector_load %arg8[%swap3A_340] {strides = array<i32>} : memref<256xi32, #tpu.memory_space<vmem>>, vector<16xi32>,
          tpu.vector_store %arg8[%swap3A_340], %get3A_339 {strides = array<i32>} : memref<256xi32, #tpu.memory_space<vmem>>, vector<16xi32>,
          %get3A_342 = arith.constant 160 : index
          %get3A_343 = tpu.vector_load %arg8[%get3A_342] {strides = array<i32>} : memref<256xi32, #tpu.memory_space<vmem>>, vector<16xi32>,
          %swap3A_344 = arith.constant 32 : index
          %swap3A_345 = tpu.vector_load %arg8[%swap3A_344] {strides = array<i32>} : memref<256xi32, #tpu.memory_space<vmem>>, vector<16xi32>,
          tpu.vector_store %arg8[%swap3A_344], %get3A_343 {strides = array<i32>} : memref<256xi32, #tpu.memory_space<vmem>>, vector<16xi32>,
          %get3A_346 = arith.constant 176 : index
          %get3A_347 = tpu.vector_load %arg8[%get3A_346] {strides = array<i32>} : memref<256xi32, #tpu.memory_space<vmem>>, vector<16xi32>,
          %swap3A_348 = arith.constant 48 : index
          %swap3A_349 = tpu.vector_load %arg8[%swap3A_348] {strides = array<i32>} : memref<256xi32, #tpu.memory_space<vmem>>, vector<16xi32>,
          tpu.vector_store %arg8[%swap3A_348], %get3A_347 {strides = array<i32>} : memref<256xi32, #tpu.memory_space<vmem>>, vector<16xi32>,
          %get3A_350 = arith.constant 192 : index
          %get3A_351 = tpu.vector_load %arg8[%get3A_350] {strides = array<i32>} : memref<256xi32, #tpu.memory_space<vmem>>, vector<16xi32>,
          %swap3A_352 = arith.constant 64 : index
          %swap3A_353 = tpu.vector_load %arg8[%swap3A_352] {strides = array<i32>} : memref<256xi32, #tpu.memory_space<vmem>>, vector<16xi32>,
          tpu.vector_store %arg8[%swap3A_352], %get3A_351 {strides = array<i32>} : memref<256xi32, #tpu.memory_space<vmem>>, vector<16xi32>,
          %get3A_354 = arith.constant 208 : index
          %get3A_355 = tpu.vector_load %arg8[%get3A_354] {strides = array<i32>} : memref<256xi32, #tpu.memory_space<vmem>>, vector<16xi32>,
          %swap3A_356 = arith.constant 80 : index
          %swap3A_357 = tpu.vector_load %arg8[%swap3A_356] {strides = array<i32>} : memref<256xi32, #tpu.memory_space<vmem>>, vector<16xi32>,
          tpu.vector_store %arg8[%swap3A_356], %get3A_355 {strides = array<i32>} : memref<256xi32, #tpu.memory_space<vmem>>, vector<16xi32>,
          %get3A_358 = arith.constant 224 : index
          %get3A_359 = tpu.vector_load %arg8[%get3A_358] {strides = array<i32>} : memref<256xi32, #tpu.memory_space<vmem>>, vector<16xi32>,
          %swap3A_360 = arith.constant 96 : index
          %swap3A_361 = tpu.vector_load %arg8[%swap3A_360] {strides = array<i32>} : memref<256xi32, #tpu.memory_space<vmem>>, vector<16xi32>,
          tpu.vector_store %arg8[%swap3A_360], %get3A_359 {strides = array<i32>} : memref<256xi32, #tpu.memory_space<vmem>>, vector<16xi32>,
          %get3A_362 = arith.constant 240 : index
          %get3A_363 = tpu.vector_load %arg8[%get3A_362] {strides = array<i32>} : memref<256xi32, #tpu.memory_space<vmem>>, vector<16xi32>,
          %swap3A_364 = arith.constant 112 : index
          %swap3A_365 = tpu.vector_load %arg8[%swap3A_364] {strides = array<i32>} : memref<256xi32, #tpu.memory_space<vmem>>, vector<16xi32>,
          tpu.vector_store %arg8[%swap3A_364], %get3A_363 {strides = array<i32>} : memref<256xi32, #tpu.memory_space<vmem>>, vector<16xi32>,
        } else {
        }
        %sub3A_310 = arith.constant 128 : i32
        %sub3A_311 = arith.subi %add3A_303, %sub3A_310 : i32
        %select_n3A_312 = arith.select %ge3A_306, %sub3A_311, %add3A_303 : i32
        %add3A_313 = arith.constant 1 : i32
        %add3A_314 = arith.addi %scan3A_53, %add3A_313 : i32
        %select_n3A_315 = arith.select %ge3A_306, %add3A_314, %scan3A_53 : i32
        scf.yield %select_n3A_312, %select_n3A_315 : i32, i32
      }
      %scan3A_50 = arith.constant 64 : i32
      scf.yield %scan3A_49#0, %scan3A_49#1 : i32, i32
    }
    %scan3A_11 = arith.constant 2 : i32
    %iota3A = tpu.iota {dimensions = array<i32: 0>} : vector<16xi32>
    %gt3A = arith.constant 0 : i32
    %gt3A_12 = arith.cmpi sgt, %scan3A_10#0, %gt3A : i32
    %eq3A = arith.constant 0 : i32
    %eq3A_13 = arith.cmpi eq, %scan3A_10#1, %eq3A : i32
    %or3A = arith.ori %gt3A_12, %eq3A_13 : i1
    %convert_element_type3A = arith.extui %or3A : i1 to i32
    %cond3A = arith.constant 262144 : i32
    %cond3A_14 = arith.constant 0 : i32
    %cond3A_15 = arith.cmpi ne, %convert_element_type3A, %cond3A_14 : i32
    scf.if %cond3A_15 {
      %get3A = arith.constant 0 : index
      %get3A_29 = tpu.vector_load %arg8[%get3A] {strides = array<i32>} : memref<256xi32, #tpu.memory_space<vmem>>, vector<16xi32>,
      %add3A_30 = arith.constant 0 : i32
      %add3A_31 = vector.broadcast %add3A_30 : i32 to vector<16xi32>
      %add3A_32 = arith.addi %iota3A, %add3A_31 : vector<16xi32>
      %lt3A = vector.broadcast %scan3A_10#0 : i32 to vector<16xi32>
      %lt3A_33 = arith.cmpi slt, %add3A_32, %lt3A : vector<16xi32>
      %broadcast_in_dim3A_34 = vector.broadcast %cond3A : i32 to vector<16xi32>
      %select_n3A_35 = arith.select %lt3A_33, %get3A_29, %broadcast_in_dim3A_34 : vector<16xi1>, vector<16xi32>
      %swap3A_36 = arith.constant 0 : index
      %swap3A_37 = tpu.vector_load %arg8[%swap3A_36] {strides = array<i32>} : memref<256xi32, #tpu.memory_space<vmem>>, vector<16xi32>,
      tpu.vector_store %arg8[%swap3A_36], %select_n3A_35 {strides = array<i32>} : memref<256xi32, #tpu.memory_space<vmem>>, vector<16xi32>,
      %get3A_38 = arith.constant 16 : index
      %get3A_39 = tpu.vector_load %arg8[%get3A_38] {strides = array<i32>} : memref<256xi32, #tpu.memory_space<vmem>>, vector<16xi32>,
      %add3A_40 = arith.constant 16 : i32
      %add3A_41 = vector.broadcast %add3A_40 : i32 to vector<16xi32>
      %add3A_42 = arith.addi %iota3A, %add3A_41 : vector<16xi32>
      %lt3A_43 = vector.broadcast %scan3A_10#0 : i32 to vector<16xi32>
      %lt3A_44 = arith.cmpi slt, %add3A_42, %lt3A_43 : vector<16xi32>
      %broadcast_in_dim3A_45 = vector.broadcast %cond3A : i32 to vector<16xi32>
      %select_n3A_46 = arith.select %lt3A_44, %get3A_39, %broadcast_in_dim3A_45 : vector<16xi1>, vector<16xi32>
      %swap3A_47 = arith.constant 16 : index
      %swap3A_48 = tpu.vector_load %arg8[%swap3A_47] {strides = array<i32>} : memref<256xi32, #tpu.memory_space<vmem>>, vector<16xi32>,
      tpu.vector_store %arg8[%swap3A_47], %select_n3A_46 {strides = array<i32>} : memref<256xi32, #tpu.memory_space<vmem>>, vector<16xi32>,
      %get3A_49 = arith.constant 32 : index
      %get3A_50 = tpu.vector_load %arg8[%get3A_49] {strides = array<i32>} : memref<256xi32, #tpu.memory_space<vmem>>, vector<16xi32>,
      %add3A_51 = arith.constant 32 : i32
      %add3A_52 = vector.broadcast %add3A_51 : i32 to vector<16xi32>
      %add3A_53 = arith.addi %iota3A, %add3A_52 : vector<16xi32>
      %lt3A_54 = vector.broadcast %scan3A_10#0 : i32 to vector<16xi32>
      %lt3A_55 = arith.cmpi slt, %add3A_53, %lt3A_54 : vector<16xi32>
      %broadcast_in_dim3A_56 = vector.broadcast %cond3A : i32 to vector<16xi32>
      %select_n3A_57 = arith.select %lt3A_55, %get3A_50, %broadcast_in_dim3A_56 : vector<16xi1>, vector<16xi32>
      %swap3A_58 = arith.constant 32 : index
      %swap3A_59 = tpu.vector_load %arg8[%swap3A_58] {strides = array<i32>} : memref<256xi32, #tpu.memory_space<vmem>>, vector<16xi32>,
      tpu.vector_store %arg8[%swap3A_58], %select_n3A_57 {strides = array<i32>} : memref<256xi32, #tpu.memory_space<vmem>>, vector<16xi32>,
      %get3A_60 = arith.constant 48 : index
      %get3A_61 = tpu.vector_load %arg8[%get3A_60] {strides = array<i32>} : memref<256xi32, #tpu.memory_space<vmem>>, vector<16xi32>,
      %add3A_62 = arith.constant 48 : i32
      %add3A_63 = vector.broadcast %add3A_62 : i32 to vector<16xi32>
      %add3A_64 = arith.addi %iota3A, %add3A_63 : vector<16xi32>
      %lt3A_65 = vector.broadcast %scan3A_10#0 : i32 to vector<16xi32>
      %lt3A_66 = arith.cmpi slt, %add3A_64, %lt3A_65 : vector<16xi32>
      %broadcast_in_dim3A_67 = vector.broadcast %cond3A : i32 to vector<16xi32>
      %select_n3A_68 = arith.select %lt3A_66, %get3A_61, %broadcast_in_dim3A_67 : vector<16xi1>, vector<16xi32>
      %swap3A_69 = arith.constant 48 : index
      %swap3A_70 = tpu.vector_load %arg8[%swap3A_69] {strides = array<i32>} : memref<256xi32, #tpu.memory_space<vmem>>, vector<16xi32>,
      tpu.vector_store %arg8[%swap3A_69], %select_n3A_68 {strides = array<i32>} : memref<256xi32, #tpu.memory_space<vmem>>, vector<16xi32>,
      %get3A_71 = arith.constant 64 : index
      %get3A_72 = tpu.vector_load %arg8[%get3A_71] {strides = array<i32>} : memref<256xi32, #tpu.memory_space<vmem>>, vector<16xi32>,
      %add3A_73 = arith.constant 64 : i32
      %add3A_74 = vector.broadcast %add3A_73 : i32 to vector<16xi32>
      %add3A_75 = arith.addi %iota3A, %add3A_74 : vector<16xi32>
      %lt3A_76 = vector.broadcast %scan3A_10#0 : i32 to vector<16xi32>
      %lt3A_77 = arith.cmpi slt, %add3A_75, %lt3A_76 : vector<16xi32>
      %broadcast_in_dim3A_78 = vector.broadcast %cond3A : i32 to vector<16xi32>
      %select_n3A_79 = arith.select %lt3A_77, %get3A_72, %broadcast_in_dim3A_78 : vector<16xi1>, vector<16xi32>
      %swap3A_80 = arith.constant 64 : index
      %swap3A_81 = tpu.vector_load %arg8[%swap3A_80] {strides = array<i32>} : memref<256xi32, #tpu.memory_space<vmem>>, vector<16xi32>,
      tpu.vector_store %arg8[%swap3A_80], %select_n3A_79 {strides = array<i32>} : memref<256xi32, #tpu.memory_space<vmem>>, vector<16xi32>,
      %get3A_82 = arith.constant 80 : index
      %get3A_83 = tpu.vector_load %arg8[%get3A_82] {strides = array<i32>} : memref<256xi32, #tpu.memory_space<vmem>>, vector<16xi32>,
      %add3A_84 = arith.constant 80 : i32
      %add3A_85 = vector.broadcast %add3A_84 : i32 to vector<16xi32>
      %add3A_86 = arith.addi %iota3A, %add3A_85 : vector<16xi32>
      %lt3A_87 = vector.broadcast %scan3A_10#0 : i32 to vector<16xi32>
      %lt3A_88 = arith.cmpi slt, %add3A_86, %lt3A_87 : vector<16xi32>
      %broadcast_in_dim3A_89 = vector.broadcast %cond3A : i32 to vector<16xi32>
      %select_n3A_90 = arith.select %lt3A_88, %get3A_83, %broadcast_in_dim3A_89 : vector<16xi1>, vector<16xi32>
      %swap3A_91 = arith.constant 80 : index
      %swap3A_92 = tpu.vector_load %arg8[%swap3A_91] {strides = array<i32>} : memref<256xi32, #tpu.memory_space<vmem>>, vector<16xi32>,
      tpu.vector_store %arg8[%swap3A_91], %select_n3A_90 {strides = array<i32>} : memref<256xi32, #tpu.memory_space<vmem>>, vector<16xi32>,
      %get3A_93 = arith.constant 96 : index
      %get3A_94 = tpu.vector_load %arg8[%get3A_93] {strides = array<i32>} : memref<256xi32, #tpu.memory_space<vmem>>, vector<16xi32>,
      %add3A_95 = arith.constant 96 : i32
      %add3A_96 = vector.broadcast %add3A_95 : i32 to vector<16xi32>
      %add3A_97 = arith.addi %iota3A, %add3A_96 : vector<16xi32>
      %lt3A_98 = vector.broadcast %scan3A_10#0 : i32 to vector<16xi32>
      %lt3A_99 = arith.cmpi slt, %add3A_97, %lt3A_98 : vector<16xi32>
      %broadcast_in_dim3A_100 = vector.broadcast %cond3A : i32 to vector<16xi32>
      %select_n3A_101 = arith.select %lt3A_99, %get3A_94, %broadcast_in_dim3A_100 : vector<16xi1>, vector<16xi32>
      %swap3A_102 = arith.constant 96 : index
      %swap3A_103 = tpu.vector_load %arg8[%swap3A_102] {strides = array<i32>} : memref<256xi32, #tpu.memory_space<vmem>>, vector<16xi32>,
      tpu.vector_store %arg8[%swap3A_102], %select_n3A_101 {strides = array<i32>} : memref<256xi32, #tpu.memory_space<vmem>>, vector<16xi32>,
      %get3A_104 = arith.constant 112 : index
      %get3A_105 = tpu.vector_load %arg8[%get3A_104] {strides = array<i32>} : memref<256xi32, #tpu.memory_space<vmem>>, vector<16xi32>,
      %add3A_106 = arith.constant 112 : i32
      %add3A_107 = vector.broadcast %add3A_106 : i32 to vector<16xi32>
      %add3A_108 = arith.addi %iota3A, %add3A_107 : vector<16xi32>
      %lt3A_109 = vector.broadcast %scan3A_10#0 : i32 to vector<16xi32>
      %lt3A_110 = arith.cmpi slt, %add3A_108, %lt3A_109 : vector<16xi32>
      %broadcast_in_dim3A_111 = vector.broadcast %cond3A : i32 to vector<16xi32>
      %select_n3A_112 = arith.select %lt3A_110, %get3A_105, %broadcast_in_dim3A_111 : vector<16xi1>, vector<16xi32>
      %swap3A_113 = arith.constant 112 : index
      %swap3A_114 = tpu.vector_load %arg8[%swap3A_113] {strides = array<i32>} : memref<256xi32, #tpu.memory_space<vmem>>, vector<16xi32>,
      tpu.vector_store %arg8[%swap3A_113], %select_n3A_112 {strides = array<i32>} : memref<256xi32, #tpu.memory_space<vmem>>, vector<16xi32>,
      %mul3A_115 = arith.constant 128 : i32
      %mul3A_116 = arith.muli %scan3A_10#1, %mul3A_115 : i32
      %dma_start3A = arith.constant 0 : i32
      %dma_start3A_117 = tpu.memref_slice %arg8[%dma_start3A] : memref<256xi32, #tpu.memory_space<vmem>> -> memref<128xi32, #tpu.memory_space<vmem>>
      %dma_start3A_118 = tpu.memref_slice %arg4[%add3A, %mul3A_116] : memref<32x16384xi32, #tpu.memory_space<hbm>> -> memref<1x128xi32, #tpu.memory_space<hbm>>
      %dma_start3A_119 = tpu.memref_squeeze %dma_start3A_118 : memref<1x128xi32, #tpu.memory_space<hbm>> -> memref<128xi32, #tpu.memory_space<hbm>>
      %dma_start3A_120 = tpu.memref_slice %arg4[%add3A, %mul3A_116] : memref<32x16384xi32, #tpu.memory_space<hbm>> -> memref<1x128xi32, #tpu.memory_space<hbm>>
      %dma_start3A_121 = tpu.memref_squeeze %dma_start3A_120 : memref<1x128xi32, #tpu.memory_space<hbm>> -> memref<128xi32, #tpu.memory_space<hbm>>
      %dma_start3A_122 = arith.constant 0 : i32
      %dma_start3A_123 = tpu.memref_slice %arg8[%dma_start3A_122] : memref<256xi32, #tpu.memory_space<vmem>> -> memref<128xi32, #tpu.memory_space<vmem>>
      tpu.enqueue_dma source(%dma_start3A_123 : memref<128xi32, #tpu.memory_space<vmem>>) target(%dma_start3A_121 : memref<128xi32, #tpu.memory_space<hbm>>) target_semaphore(%arg10 : memref<!tpu.dma_semaphore, #tpu.memory_space<semaphore_mem>>)
      %dma_wait3A = arith.constant 0 : i32
      %dma_wait3A_124 = tpu.memref_slice %arg8[%dma_wait3A] : memref<256xi32, #tpu.memory_space<vmem>> -> memref<128xi32, #tpu.memory_space<vmem>>
      %dma_wait3A_125 = tpu.memref_slice %arg4[%add3A, %mul3A_116] : memref<32x16384xi32, #tpu.memory_space<hbm>> -> memref<1x128xi32, #tpu.memory_space<hbm>>
      %dma_wait3A_126 = tpu.memref_squeeze %dma_wait3A_125 : memref<1x128xi32, #tpu.memory_space<hbm>> -> memref<128xi32, #tpu.memory_space<hbm>>
      %dma_wait3A_127 = tpu.memref_slice %arg4[%add3A, %mul3A_116] : memref<32x16384xi32, #tpu.memory_space<hbm>> -> memref<1x128xi32, #tpu.memory_space<hbm>>
      %dma_wait3A_128 = tpu.memref_squeeze %dma_wait3A_127 : memref<1x128xi32, #tpu.memory_space<hbm>> -> memref<128xi32, #tpu.memory_space<hbm>>
      %dma_wait3A_129 = arith.constant 0 : i32
      %dma_wait3A_130 = tpu.memref_slice %arg8[%dma_wait3A_129] : memref<256xi32, #tpu.memory_space<vmem>> -> memref<128xi32, #tpu.memory_space<vmem>>
      tpu.wait_dma2 semaphore(%arg10 : memref<!tpu.dma_semaphore, #tpu.memory_space<semaphore_mem>>) src(%dma_wait3A_130 : memref<128xi32, #tpu.memory_space<vmem>>) dst(%dma_wait3A_128 : memref<128xi32, #tpu.memory_space<hbm>>)
      %get3A_131 = arith.constant 128 : index
      %get3A_132 = tpu.vector_load %arg8[%get3A_131] {strides = array<i32>} : memref<256xi32, #tpu.memory_space<vmem>>, vector<16xi32>,
      %swap3A_133 = arith.constant 0 : index
      %swap3A_134 = tpu.vector_load %arg8[%swap3A_133] {strides = array<i32>} : memref<256xi32, #tpu.memory_space<vmem>>, vector<16xi32>,
      tpu.vector_store %arg8[%swap3A_133], %get3A_132 {strides = array<i32>} : memref<256xi32, #tpu.memory_space<vmem>>, vector<16xi32>,
      %get3A_135 = arith.constant 144 : index
      %get3A_136 = tpu.vector_load %arg8[%get3A_135] {strides = array<i32>} : memref<256xi32, #tpu.memory_space<vmem>>, vector<16xi32>,
      %swap3A_137 = arith.constant 16 : index
      %swap3A_138 = tpu.vector_load %arg8[%swap3A_137] {strides = array<i32>} : memref<256xi32, #tpu.memory_space<vmem>>, vector<16xi32>,
      tpu.vector_store %arg8[%swap3A_137], %get3A_136 {strides = array<i32>} : memref<256xi32, #tpu.memory_space<vmem>>, vector<16xi32>,
      %get3A_139 = arith.constant 160 : index
      %get3A_140 = tpu.vector_load %arg8[%get3A_139] {strides = array<i32>} : memref<256xi32, #tpu.memory_space<vmem>>, vector<16xi32>,
      %swap3A_141 = arith.constant 32 : index
      %swap3A_142 = tpu.vector_load %arg8[%swap3A_141] {strides = array<i32>} : memref<256xi32, #tpu.memory_space<vmem>>, vector<16xi32>,
      tpu.vector_store %arg8[%swap3A_141], %get3A_140 {strides = array<i32>} : memref<256xi32, #tpu.memory_space<vmem>>, vector<16xi32>,
      %get3A_143 = arith.constant 176 : index
      %get3A_144 = tpu.vector_load %arg8[%get3A_143] {strides = array<i32>} : memref<256xi32, #tpu.memory_space<vmem>>, vector<16xi32>,
      %swap3A_145 = arith.constant 48 : index
      %swap3A_146 = tpu.vector_load %arg8[%swap3A_145] {strides = array<i32>} : memref<256xi32, #tpu.memory_space<vmem>>, vector<16xi32>,
      tpu.vector_store %arg8[%swap3A_145], %get3A_144 {strides = array<i32>} : memref<256xi32, #tpu.memory_space<vmem>>, vector<16xi32>,
      %get3A_147 = arith.constant 192 : index
      %get3A_148 = tpu.vector_load %arg8[%get3A_147] {strides = array<i32>} : memref<256xi32, #tpu.memory_space<vmem>>, vector<16xi32>,
      %swap3A_149 = arith.constant 64 : index
      %swap3A_150 = tpu.vector_load %arg8[%swap3A_149] {strides = array<i32>} : memref<256xi32, #tpu.memory_space<vmem>>, vector<16xi32>,
      tpu.vector_store %arg8[%swap3A_149], %get3A_148 {strides = array<i32>} : memref<256xi32, #tpu.memory_space<vmem>>, vector<16xi32>,
      %get3A_151 = arith.constant 208 : index
      %get3A_152 = tpu.vector_load %arg8[%get3A_151] {strides = array<i32>} : memref<256xi32, #tpu.memory_space<vmem>>, vector<16xi32>,
      %swap3A_153 = arith.constant 80 : index
      %swap3A_154 = tpu.vector_load %arg8[%swap3A_153] {strides = array<i32>} : memref<256xi32, #tpu.memory_space<vmem>>, vector<16xi32>,
      tpu.vector_store %arg8[%swap3A_153], %get3A_152 {strides = array<i32>} : memref<256xi32, #tpu.memory_space<vmem>>, vector<16xi32>,
      %get3A_155 = arith.constant 224 : index
      %get3A_156 = tpu.vector_load %arg8[%get3A_155] {strides = array<i32>} : memref<256xi32, #tpu.memory_space<vmem>>, vector<16xi32>,
      %swap3A_157 = arith.constant 96 : index
      %swap3A_158 = tpu.vector_load %arg8[%swap3A_157] {strides = array<i32>} : memref<256xi32, #tpu.memory_space<vmem>>, vector<16xi32>,
      tpu.vector_store %arg8[%swap3A_157], %get3A_156 {strides = array<i32>} : memref<256xi32, #tpu.memory_space<vmem>>, vector<16xi32>,
      %get3A_159 = arith.constant 240 : index
      %get3A_160 = tpu.vector_load %arg8[%get3A_159] {strides = array<i32>} : memref<256xi32, #tpu.memory_space<vmem>>, vector<16xi32>,
      %swap3A_161 = arith.constant 112 : index
      %swap3A_162 = tpu.vector_load %arg8[%swap3A_161] {strides = array<i32>} : memref<256xi32, #tpu.memory_space<vmem>>, vector<16xi32>,
      tpu.vector_store %arg8[%swap3A_161], %get3A_160 {strides = array<i32>} : memref<256xi32, #tpu.memory_space<vmem>>, vector<16xi32>,
    } else {
    }
    %add3A_16 = arith.constant 1 : i32
    %add3A_17 = arith.addi %scan3A_10#1, %add3A_16 : i32
    %select_n3A = arith.select %or3A, %add3A_17, %scan3A_10#1 : i32
    %rem3A = arith.constant 2 : i32
    %rem3A_18 = arith.remsi %select_n3A, %rem3A : i32
    %eq3A_19 = arith.constant 1 : i32
    %eq3A_20 = arith.cmpi eq, %rem3A_18, %eq3A_19 : i32
    %convert_element_type3A_21 = arith.extui %eq3A_20 : i1 to i32
    %cond3A_22 = arith.constant 262144 : i32
    %cond3A_23 = arith.constant 0 : i32
    %cond3A_24 = arith.cmpi ne, %convert_element_type3A_21, %cond3A_23 : i32
    scf.if %cond3A_24 {
      %broadcast_in_dim3A_29 = vector.broadcast %cond3A_22 : i32 to vector<16xi32>
      %swap3A_30 = arith.constant 0 : index
      %swap3A_31 = tpu.vector_load %arg8[%swap3A_30] {strides = array<i32>} : memref<256xi32, #tpu.memory_space<vmem>>, vector<16xi32>,
      tpu.vector_store %arg8[%swap3A_30], %broadcast_in_dim3A_29 {strides = array<i32>} : memref<256xi32, #tpu.memory_space<vmem>>, vector<16xi32>,
      %swap3A_32 = arith.constant 16 : index
      %swap3A_33 = tpu.vector_load %arg8[%swap3A_32] {strides = array<i32>} : memref<256xi32, #tpu.memory_space<vmem>>, vector<16xi32>,
      tpu.vector_store %arg8[%swap3A_32], %broadcast_in_dim3A_29 {strides = array<i32>} : memref<256xi32, #tpu.memory_space<vmem>>, vector<16xi32>,
      %swap3A_34 = arith.constant 32 : index
      %swap3A_35 = tpu.vector_load %arg8[%swap3A_34] {strides = array<i32>} : memref<256xi32, #tpu.memory_space<vmem>>, vector<16xi32>,
      tpu.vector_store %arg8[%swap3A_34], %broadcast_in_dim3A_29 {strides = array<i32>} : memref<256xi32, #tpu.memory_space<vmem>>, vector<16xi32>,
      %swap3A_36 = arith.constant 48 : index
      %swap3A_37 = tpu.vector_load %arg8[%swap3A_36] {strides = array<i32>} : memref<256xi32, #tpu.memory_space<vmem>>, vector<16xi32>,
      tpu.vector_store %arg8[%swap3A_36], %broadcast_in_dim3A_29 {strides = array<i32>} : memref<256xi32, #tpu.memory_space<vmem>>, vector<16xi32>,
      %swap3A_38 = arith.constant 64 : index
      %swap3A_39 = tpu.vector_load %arg8[%swap3A_38] {strides = array<i32>} : memref<256xi32, #tpu.memory_space<vmem>>, vector<16xi32>,
      tpu.vector_store %arg8[%swap3A_38], %broadcast_in_dim3A_29 {strides = array<i32>} : memref<256xi32, #tpu.memory_space<vmem>>, vector<16xi32>,
      %swap3A_40 = arith.constant 80 : index
      %swap3A_41 = tpu.vector_load %arg8[%swap3A_40] {strides = array<i32>} : memref<256xi32, #tpu.memory_space<vmem>>, vector<16xi32>,
      tpu.vector_store %arg8[%swap3A_40], %broadcast_in_dim3A_29 {strides = array<i32>} : memref<256xi32, #tpu.memory_space<vmem>>, vector<16xi32>,
      %swap3A_42 = arith.constant 96 : index
      %swap3A_43 = tpu.vector_load %arg8[%swap3A_42] {strides = array<i32>} : memref<256xi32, #tpu.memory_space<vmem>>, vector<16xi32>,
      tpu.vector_store %arg8[%swap3A_42], %broadcast_in_dim3A_29 {strides = array<i32>} : memref<256xi32, #tpu.memory_space<vmem>>, vector<16xi32>,
      %swap3A_44 = arith.constant 112 : index
      %swap3A_45 = tpu.vector_load %arg8[%swap3A_44] {strides = array<i32>} : memref<256xi32, #tpu.memory_space<vmem>>, vector<16xi32>,
      tpu.vector_store %arg8[%swap3A_44], %broadcast_in_dim3A_29 {strides = array<i32>} : memref<256xi32, #tpu.memory_space<vmem>>, vector<16xi32>,
      %mul3A_46 = arith.constant 128 : i32
      %mul3A_47 = arith.muli %select_n3A, %mul3A_46 : i32
      %dma_start3A = arith.constant 0 : i32
      %dma_start3A_48 = tpu.memref_slice %arg8[%dma_start3A] : memref<256xi32, #tpu.memory_space<vmem>> -> memref<128xi32, #tpu.memory_space<vmem>>
      %dma_start3A_49 = tpu.memref_slice %arg4[%add3A, %mul3A_47] : memref<32x16384xi32, #tpu.memory_space<hbm>> -> memref<1x128xi32, #tpu.memory_space<hbm>>
      %dma_start3A_50 = tpu.memref_squeeze %dma_start3A_49 : memref<1x128xi32, #tpu.memory_space<hbm>> -> memref<128xi32, #tpu.memory_space<hbm>>
      %dma_start3A_51 = tpu.memref_slice %arg4[%add3A, %mul3A_47] : memref<32x16384xi32, #tpu.memory_space<hbm>> -> memref<1x128xi32, #tpu.memory_space<hbm>>
      %dma_start3A_52 = tpu.memref_squeeze %dma_start3A_51 : memref<1x128xi32, #tpu.memory_space<hbm>> -> memref<128xi32, #tpu.memory_space<hbm>>
      %dma_start3A_53 = arith.constant 0 : i32
      %dma_start3A_54 = tpu.memref_slice %arg8[%dma_start3A_53] : memref<256xi32, #tpu.memory_space<vmem>> -> memref<128xi32, #tpu.memory_space<vmem>>
      tpu.enqueue_dma source(%dma_start3A_54 : memref<128xi32, #tpu.memory_space<vmem>>) target(%dma_start3A_52 : memref<128xi32, #tpu.memory_space<hbm>>) target_semaphore(%arg10 : memref<!tpu.dma_semaphore, #tpu.memory_space<semaphore_mem>>)
      %dma_wait3A = arith.constant 0 : i32
      %dma_wait3A_55 = tpu.memref_slice %arg8[%dma_wait3A] : memref<256xi32, #tpu.memory_space<vmem>> -> memref<128xi32, #tpu.memory_space<vmem>>
      %dma_wait3A_56 = tpu.memref_slice %arg4[%add3A, %mul3A_47] : memref<32x16384xi32, #tpu.memory_space<hbm>> -> memref<1x128xi32, #tpu.memory_space<hbm>>
      %dma_wait3A_57 = tpu.memref_squeeze %dma_wait3A_56 : memref<1x128xi32, #tpu.memory_space<hbm>> -> memref<128xi32, #tpu.memory_space<hbm>>
      %dma_wait3A_58 = tpu.memref_slice %arg4[%add3A, %mul3A_47] : memref<32x16384xi32, #tpu.memory_space<hbm>> -> memref<1x128xi32, #tpu.memory_space<hbm>>
      %dma_wait3A_59 = tpu.memref_squeeze %dma_wait3A_58 : memref<1x128xi32, #tpu.memory_space<hbm>> -> memref<128xi32, #tpu.memory_space<hbm>>
      %dma_wait3A_60 = arith.constant 0 : i32
      %dma_wait3A_61 = tpu.memref_slice %arg8[%dma_wait3A_60] : memref<256xi32, #tpu.memory_space<vmem>> -> memref<128xi32, #tpu.memory_space<vmem>>
      tpu.wait_dma2 semaphore(%arg10 : memref<!tpu.dma_semaphore, #tpu.memory_space<semaphore_mem>>) src(%dma_wait3A_61 : memref<128xi32, #tpu.memory_space<vmem>>) dst(%dma_wait3A_59 : memref<128xi32, #tpu.memory_space<hbm>>)
      %get3A = arith.constant 128 : index
      %get3A_62 = tpu.vector_load %arg8[%get3A] {strides = array<i32>} : memref<256xi32, #tpu.memory_space<vmem>>, vector<16xi32>,
      %swap3A_63 = arith.constant 0 : index
      %swap3A_64 = tpu.vector_load %arg8[%swap3A_63] {strides = array<i32>} : memref<256xi32, #tpu.memory_space<vmem>>, vector<16xi32>,
      tpu.vector_store %arg8[%swap3A_63], %get3A_62 {strides = array<i32>} : memref<256xi32, #tpu.memory_space<vmem>>, vector<16xi32>,
      %get3A_65 = arith.constant 144 : index
      %get3A_66 = tpu.vector_load %arg8[%get3A_65] {strides = array<i32>} : memref<256xi32, #tpu.memory_space<vmem>>, vector<16xi32>,
      %swap3A_67 = arith.constant 16 : index
      %swap3A_68 = tpu.vector_load %arg8[%swap3A_67] {strides = array<i32>} : memref<256xi32, #tpu.memory_space<vmem>>, vector<16xi32>,
      tpu.vector_store %arg8[%swap3A_67], %get3A_66 {strides = array<i32>} : memref<256xi32, #tpu.memory_space<vmem>>, vector<16xi32>,
      %get3A_69 = arith.constant 160 : index
      %get3A_70 = tpu.vector_load %arg8[%get3A_69] {strides = array<i32>} : memref<256xi32, #tpu.memory_space<vmem>>, vector<16xi32>,
      %swap3A_71 = arith.constant 32 : index
      %swap3A_72 = tpu.vector_load %arg8[%swap3A_71] {strides = array<i32>} : memref<256xi32, #tpu.memory_space<vmem>>, vector<16xi32>,
      tpu.vector_store %arg8[%swap3A_71], %get3A_70 {strides = array<i32>} : memref<256xi32, #tpu.memory_space<vmem>>, vector<16xi32>,
      %get3A_73 = arith.constant 176 : index
      %get3A_74 = tpu.vector_load %arg8[%get3A_73] {strides = array<i32>} : memref<256xi32, #tpu.memory_space<vmem>>, vector<16xi32>,
      %swap3A_75 = arith.constant 48 : index
      %swap3A_76 = tpu.vector_load %arg8[%swap3A_75] {strides = array<i32>} : memref<256xi32, #tpu.memory_space<vmem>>, vector<16xi32>,
      tpu.vector_store %arg8[%swap3A_75], %get3A_74 {strides = array<i32>} : memref<256xi32, #tpu.memory_space<vmem>>, vector<16xi32>,
      %get3A_77 = arith.constant 192 : index
      %get3A_78 = tpu.vector_load %arg8[%get3A_77] {strides = array<i32>} : memref<256xi32, #tpu.memory_space<vmem>>, vector<16xi32>,
      %swap3A_79 = arith.constant 64 : index
      %swap3A_80 = tpu.vector_load %arg8[%swap3A_79] {strides = array<i32>} : memref<256xi32, #tpu.memory_space<vmem>>, vector<16xi32>,
      tpu.vector_store %arg8[%swap3A_79], %get3A_78 {strides = array<i32>} : memref<256xi32, #tpu.memory_space<vmem>>, vector<16xi32>,
      %get3A_81 = arith.constant 208 : index
      %get3A_82 = tpu.vector_load %arg8[%get3A_81] {strides = array<i32>} : memref<256xi32, #tpu.memory_space<vmem>>, vector<16xi32>,
      %swap3A_83 = arith.constant 80 : index
      %swap3A_84 = tpu.vector_load %arg8[%swap3A_83] {strides = array<i32>} : memref<256xi32, #tpu.memory_space<vmem>>, vector<16xi32>,
      tpu.vector_store %arg8[%swap3A_83], %get3A_82 {strides = array<i32>} : memref<256xi32, #tpu.memory_space<vmem>>, vector<16xi32>,
      %get3A_85 = arith.constant 224 : index
      %get3A_86 = tpu.vector_load %arg8[%get3A_85] {strides = array<i32>} : memref<256xi32, #tpu.memory_space<vmem>>, vector<16xi32>,
      %swap3A_87 = arith.constant 96 : index
      %swap3A_88 = tpu.vector_load %arg8[%swap3A_87] {strides = array<i32>} : memref<256xi32, #tpu.memory_space<vmem>>, vector<16xi32>,
      tpu.vector_store %arg8[%swap3A_87], %get3A_86 {strides = array<i32>} : memref<256xi32, #tpu.memory_space<vmem>>, vector<16xi32>,
      %get3A_89 = arith.constant 240 : index
      %get3A_90 = tpu.vector_load %arg8[%get3A_89] {strides = array<i32>} : memref<256xi32, #tpu.memory_space<vmem>>, vector<16xi32>,
      %swap3A_91 = arith.constant 112 : index
      %swap3A_92 = tpu.vector_load %arg8[%swap3A_91] {strides = array<i32>} : memref<256xi32, #tpu.memory_space<vmem>>, vector<16xi32>,
      tpu.vector_store %arg8[%swap3A_91], %get3A_90 {strides = array<i32>} : memref<256xi32, #tpu.memory_space<vmem>>, vector<16xi32>,
    } else {
    }
    %add3A_25 = arith.constant 1 : i32
    %add3A_26 = arith.addi %select_n3A, %add3A_25 : i32
    %select_n3A_27 = arith.select %eq3A_20, %add3A_26, %select_n3A : i32
    %broadcast_in_dim3A = vector.broadcast %select_n3A_27 : i32 to vector<16xi32>
    %swap3A = arith.constant 0 : index
    %swap3A_28 = tpu.vector_load %arg9[%swap3A] {strides = array<i32>} : memref<16xi32, #tpu.memory_space<vmem>>, vector<16xi32>,
    tpu.vector_store %arg9[%swap3A], %broadcast_in_dim3A {strides = array<i32>} : memref<16xi32, #tpu.memory_space<vmem>>, vector<16xi32>,
    "tpu.region"() ({
      %run_scoped3A = tpu.sem_alloc : memref<!tpu.dma_semaphore, #tpu.memory_space<semaphore_mem>>
      %dma_start3A = arith.constant 0 : i32
      %dma_start3A_29 = tpu.memref_slice %arg5[%add3A, %dma_start3A] : memref<32x16xi32, #tpu.memory_space<hbm>> -> memref<1x16xi32, #tpu.memory_space<hbm>>
      %dma_start3A_30 = tpu.memref_squeeze %dma_start3A_29 : memref<1x16xi32, #tpu.memory_space<hbm>> -> memref<16xi32, #tpu.memory_space<hbm>>
      %dma_start3A_31 = arith.constant 0 : i32
      %dma_start3A_32 = tpu.memref_slice %arg5[%add3A, %dma_start3A_31] : memref<32x16xi32, #tpu.memory_space<hbm>> -> memref<1x16xi32, #tpu.memory_space<hbm>>
      %dma_start3A_33 = tpu.memref_squeeze %dma_start3A_32 : memref<1x16xi32, #tpu.memory_space<hbm>> -> memref<16xi32, #tpu.memory_space<hbm>>
      tpu.enqueue_dma source(%arg9 : memref<16xi32, #tpu.memory_space<vmem>>) target(%dma_start3A_33 : memref<16xi32, #tpu.memory_space<hbm>>) target_semaphore(%run_scoped3A : memref<!tpu.dma_semaphore, #tpu.memory_space<semaphore_mem>>)
      %dma_wait3A = arith.constant 0 : i32
      %dma_wait3A_34 = tpu.memref_slice %arg5[%add3A, %dma_wait3A] : memref<32x16xi32, #tpu.memory_space<hbm>> -> memref<1x16xi32, #tpu.memory_space<hbm>>
      %dma_wait3A_35 = tpu.memref_squeeze %dma_wait3A_34 : memref<1x16xi32, #tpu.memory_space<hbm>> -> memref<16xi32, #tpu.memory_space<hbm>>
      %dma_wait3A_36 = arith.constant 0 : i32
      %dma_wait3A_37 = tpu.memref_slice %arg5[%add3A, %dma_wait3A_36] : memref<32x16xi32, #tpu.memory_space<hbm>> -> memref<1x16xi32, #tpu.memory_space<hbm>>
      %dma_wait3A_38 = tpu.memref_squeeze %dma_wait3A_37 : memref<1x16xi32, #tpu.memory_space<hbm>> -> memref<16xi32, #tpu.memory_space<hbm>>
      tpu.wait_dma2 semaphore(%run_scoped3A : memref<!tpu.dma_semaphore, #tpu.memory_space<semaphore_mem>>) src(%arg9 : memref<16xi32, #tpu.memory_space<vmem>>) dst(%dma_wait3A_38 : memref<16xi32, #tpu.memory_space<hbm>>)
      tpu.yield
    }) : () -> ()
    return
  }
}

</mosaic_0001>

<sc_bundles>
// kernel: _sc_bucketize.3.cloned.1.call-start
scs
__scs_entry_jumppad:
0x0: {  	(pc) =	sbr.rel $0x88, $3  }
0x1: {  	(tag) =	ssettag $0x0;
	lr =	simm.s32 $0x1  }
0x2: {  	[smem:$0x3F9F] =	sst lr;
	_ =	strace $0xD0000000  }
0x3: {  	_ = 	snop  }
0x4: {  	_ = 	snop  }
0x5: {  	_ = 	snop  }
0x6: {  	_ = 	snop  }
0x7: {  	_ = 	snop  }
__scs_overlays_trampoline_lowered:
0x8: {  	[smem:$0x3FAE] =	sst s0  }
0x9: {  	[smem:$0x3FAF] =	sst s1  }
0xa: {  	[smem:$0x3FB0] =	sst s2  }
0xb: {  	[smem:$0x3FB1] =	sst s3  }
0xc: {  	[smem:$0x3FB2] =	sst s4  }
0xd: {  	[smem:$0x3FB3] =	sst s5  }
0xe: {  	[smem:$0x3FB4] =	sst s6  }
0xf: {  	[smem:$0x3FB5] =	sst s7  }
0x10: {  	[smem:$0x3FB6] =	sst s8  }
0x11: {  	[smem:$0x3FB7] =	sst s9;
	s0 =	simm.s32 @!p0 $0x0  }
0x12: {  	s1 =	sld [smem:$0x3F9D];
	s0 =	simm.s32 @p0 $0x1  }
0x13: {  	[smem:$0x3FB8] =	sst s0;
	s0 =	simm.s32 @!p1 $0x0  }
0x14: {  	s2 =	sld [smem:$0x3F9C];
	s0 =	simm.s32 @p1 $0x1  }
0x15: {  	[smem:$0x3FB9] =	sst s0;
	s0 =	simm.s32 @!p2 $0x0  }
0x16: {  	s3 =	sld [smem:$0x3FDB];
	s0 =	simm.s32 @p2 $0x1  }
0x17: {  	s4 =	simm.s32 $0x1BF5;
	[smem:$0x3FBB] =	sst s0  }
0x18: {  	s0 =	sld [smem:$0x3F9E];
	_ =	swait.ge [sflag:s4], $0x0  }
0x19: {  	s7 =	sld [smem:$0x3F9F]  }
0x1a: {  	s8 =	sadd.s32 $0xFFFFE003, lr  }
0x1b: {  	s9 =	sadd.s32 $0xFFFFFEF7, lr;
	s5 =	simm.s32 $0xFFFFFFFF;
	p2 =	slt.u32 s8, $0xFFFFF086  }
0x1c: {  	p1 =	slt.u32 s9, $0xF7A;
	s5 =	simm.s32 @!p2 $0x0  }
0x1d: {  	s5 =	simm.s32 @p1 $0x1;
	p0 =	seq.s32 s7, s2  }
0x1e: {  	s7 =	smul.u32 @!p0 $0xF7A, s2;
	p2 =	seq.s32 @!p0 s5, $0x0  }
0x1f: {  	s9 =	smul.u32 $0xF7A, s1;
	s8 =	simm.s32 @!p0 $0x1BF5;
	p2 =	por !p2, p0  }
0x20: {  	[sflag:s8] =	ssyncset.s32 @!p0 $0xFFFFF086;
	s6 =	sadd.s32 @!p0 s3, s7;
	s7 =	simm.s32 @!p0 $0x108  }
0x21: {  	s3 =	sadd.s32 s3, s9;
	s6 =	sadd.s32 @!p0 $0x88, s6;
	s7 =	simm.s32 @p2 $0x1082  }
0x22: {  	[simem:s7], [sflag:s8] =	dma.local @!p0 [hbm:s6], $0xF7A  }
0x23: {  	s9 =	sor.u32 $0xD0000000, s2;
	s6 =	simm.s32 $0x108;
	_ =	swait.ge @!p0 [sflag:s8], $0x0  }
0x24: {  	s3 =	sadd.s32 $0x88, s3;
	s6 =	simm.s32 @!p1 $0x1082;
	[sflag:s4] =	ssyncset.s32 $0xFFFFF086  }
0x25: {  	[simem:s6], [sflag:s4] =	dma.local [hbm:s3], $0xF7A  }
0x26: {  	[smem:$0x3F9F] =	sst s1;
	(tag) =	ssettag s2;
	_ =	strace s9  }
0x27: {  	s1 =	sld [smem:$0x3FAF]  }
0x28: {  	s2 =	sld [smem:$0x3FB0]  }
0x29: {  	s4 =	sld [smem:$0x3FB2]  }
0x2a: {  	p0 =	seq.s32 s5, $0x0;
	s5 =	sld [smem:$0x3FB3]  }
0x2b: {  	s6 =	sld [smem:$0x3FB4]  }
0x2c: {  	s7 =	sld [smem:$0x3FB5]  }
0x2d: {  	s3 =	simm.s32 $0x108;
	s8 =	sld [smem:$0x3FB6]  }
0x2e: {  	s3 =	simm.s32 @!p0 $0x1082;
	s9 =	sld [smem:$0x3FB7]  }
0x2f: {  	lr =	sadd.s32 s0, s3;
	s0 =	sld [smem:$0x3FAE]  }
0x30: {  	s3 =	sld [smem:$0x3FB1]  }
0x31: {  	[smem:$0x3FBA] =	sst s10  }
0x32: {  	s10 =	sld [smem:$0x3FB8];
	_ =	sdelay $0x3  }
0x33: {  	p0 =	seq.s32 s10, $0x1;
	s10 =	sld [smem:$0x3FBA];
	_ =	sdelay $0x3  }
0x34: {  	[smem:$0x3FBA] =	sst s10  }
0x35: {  	s10 =	sld [smem:$0x3FB9];
	_ =	sdelay $0x3  }
0x36: {  	p1 =	seq.s32 s10, $0x1;
	s10 =	sld [smem:$0x3FBA];
	_ =	sdelay $0x3  }
0x37: {  	[smem:$0x3FBA] =	sst s10  }
0x38: {  	s10 =	sld [smem:$0x3FBB]  }
0x39: {  	_ = 	snop;
	(pc) =	sbr.ind lr, $3  }
0x3a: {  	_ = 	snop  }
0x3b: {  	_ = 	snop  }
0x3c: {  	p2 =	seq.s32 s10, $0x1;
	s10 =	sld [smem:$0x3FBA]  }
0x3d: {  	_ =	shalt  }
0x3e: {  	_ =	shalt  }
0x3f: {  	_ =	shalt  }
0x40: {  	_ =	shalt  }
0x41: {  	_ =	shalt  }
0x42: {  	_ =	shalt  }
0x43: {  	_ =	shalt  }
0x44: {  	_ =	shalt  }
0x45: {  	_ =	shalt  }
0x46: {  	_ =	shalt  }
0x47: {  	_ =	shalt  }
0x48: {  	_ =	shalt  }
0x49: {  	_ =	shalt  }
0x4a: {  	_ =	shalt  }
0x4b: {  	_ =	shalt  }
0x4c: {  	_ =	shalt  }
0x4d: {  	_ =	shalt  }
0x4e: {  	_ =	shalt  }
0x4f: {  	_ =	shalt  }
0x50: {  	_ =	shalt  }
0x51: {  	_ =	shalt  }
0x52: {  	_ =	shalt  }
0x53: {  	_ =	shalt  }
0x54: {  	_ =	shalt  }
0x55: {  	_ =	shalt  }
0x56: {  	_ =	shalt  }
0x57: {  	_ =	shalt  }
0x58: {  	_ =	shalt  }
0x59: {  	_ =	shalt  }
0x5a: {  	_ =	shalt  }
0x5b: {  	_ =	shalt  }
0x5c: {  	_ =	shalt  }
0x5d: {  	_ =	shalt  }
0x5e: {  	_ =	shalt  }
0x5f: {  	_ =	shalt  }
0x60: {  	_ =	shalt  }
0x61: {  	_ =	shalt  }
0x62: {  	_ =	shalt  }
0x63: {  	_ =	shalt  }
0x64: {  	_ =	shalt  }
0x65: {  	_ =	shalt  }
0x66: {  	_ =	shalt  }
0x67: {  	_ =	shalt  }
0x68: {  	_ =	shalt  }
0x69: {  	_ =	shalt  }
0x6a: {  	_ =	shalt  }
0x6b: {  	_ =	shalt  }
0x6c: {  	_ =	shalt  }
0x6d: {  	_ =	shalt  }
0x6e: {  	_ =	shalt  }
0x6f: {  	_ =	shalt  }
0x70: {  	_ =	shalt  }
0x71: {  	_ =	shalt  }
0x72: {  	_ =	shalt  }
0x73: {  	_ =	shalt  }
0x74: {  	_ =	shalt  }
0x75: {  	_ =	shalt  }
0x76: {  	_ =	shalt  }
0x77: {  	_ =	shalt  }
0x78: {  	_ =	shalt  }
0x79: {  	_ =	shalt  }
0x7a: {  	_ =	shalt  }
0x7b: {  	_ =	shalt  }
0x7c: {  	_ =	shalt  }
0x7d: {  	_ =	shalt  }
0x7e: {  	_ =	shalt  }
0x7f: {  	_ =	shalt  }
0x80: {  	_ =	shalt  }
0x81: {  	_ =	shalt  }
0x82: {  	_ =	shalt  }
0x83: {  	_ =	shalt  }
0x84: {  	_ =	shalt  }
0x85: {  	_ =	shalt  }
0x86: {  	_ =	shalt  }
0x87: {  	_ =	shalt  }
.Lfunc_end0:
.L_simem_size_0:
called_computation_lowered:
.L_overlay_start_0:
0x88: {  	s2 =	sld [smem:$0x3FD9]  }
0x89: {  	s3 =	sld [smem:$0x3FFE];
	_ =	sdelay $0x1  }
0x8a: {  	s1 =	srdreg.scid  }
0x8b: {  	s0 =	sand.u32 $0x1, s1  }
0x8c: {  	s14 =	sshll.u32 s0, $0xA;
	s2 =	sadd.s32 s3, s2  }
0x8d: {  	s2 =	sadd.s32 s2, s14  }
0x8e: {  	[smem:$0x3FC6] =	sst s2  }
0x8f: {  	_ = 	snop  }
0x90: {  	s2 =	sld [smem:$0x3FD0];
	_ =	sdelay $0x1  }
0x91: {  	s15 =	sld [smem:$0x3FC9]  }
0x92: {  	s5 =	simm.s32 $0xA;
	s6 =	simm.s32 $0x10;
	s4 =	sld [smem:$0x3FC8]  }
0x93: {  	[smem:s6], [sflag:s5] =	dma.local [hbm:s2], $0x1  }
0x94: {  	_ =	swait.eq [sflag:s5], $0x1  }
0x95: {  	[sflag:s5] =	ssyncset.done $0x0  }
0x96: {  	[sflag:s5] =	ssyncadd.s32 $0xFFFFFFFF  }
0x97: {  	s16 =	sld [smem:$0x10];
	(tm) =	ssettm $0x1  }
0x98: {  	s17 =	sld [smem:$0x3FFB];
	_ =	sdelay $0x3  }
0x99: {  	_ =	strace s17  }
0x9a: {  	s5 =	sld [smem:$0x3FFC];
	_ =	sdelay $0x3  }
0x9b: {  	_ =	strace s5  }
0x9c: {  	s5 =	sld [smem:$0x3FFD];
	_ =	sdelay $0x3  }
0x9d: {  	_ =	strace s5  }
0x9e: {  	_ =	strace $0x8FFFFFFF  }
0x9f: {  	s18 =	sld [smem:$0x3FDB];
	_ =	sdelay $0x1  }
0xa0: {  	s19 =	simm.s32 $_scs_section_size  }
0xa1: {  	s7 =	simm.s32 $_size__tile_overlayer_lowered;
	s8 =	simm.s32 $_tile_overlayer_lowered  }
0xa2: {  	s22 =	simm.s32 $0x1BFF;
	s21 =	sshll.u32 s8, $0x1;
	s5 =	sadd.s32 s19, s18  }
0xa3: {  	s9 =	simm.s32 $0x0;
	s20 =	sshll.u32 s7, $0x1;
	s7 =	sadd.s32 s21, s5  }
0xa4: {  	[timem:s9], [sflag:s22] =	dma.local [hbm:s7], s20  }
0xa5: {  	_ =	swait.ge [sflag:s22], s20  }
0xa6: {  	s6 =	ssub.s32 $0x0, s20;
	[sflag:s22] =	ssyncset.done $0x0  }
0xa7: {  	[sflag:s22] =	ssyncadd.s32 s6;
	_ =	sdelay $0x1  }
0xa8: {  	s23 =	simm.s32 $0x1B8B  }
0xa9: {  	_ =	swait.ge [sflag:s23], $0x1  }
0xaa: {  	[sflag:s23] =	ssyncset.done $0x0  }
0xab: {  	s25 =	simm.s32 $0x1B8E;
	s24 =	sld [smem:$0x3FFE];
	[sflag:s23] =	ssyncadd.s32 $0xFFFFFFFF  }
0xac: {  	s26 =	simm.s32 $execute0_lowered;
	[smem:$0x3FD2] =	sst s25  }
0xad: {  	s7 =	sshll.u32 s26, $0x1;
	_ =	strace $0x80000046;
	[dreg:$0x1] =	wrdreg $0xFFFFFFFF  }
0xae: {  	s28 =	simm.s32 $_size_execute0_lowered;
	s5 =	sadd.s32 s5, s7;
	[dreg:$0x0] =	wrdreg $0x0  }
0xaf: {  	s7 =	sshll.u32 s28, $0x1;
	[dreg:$0x2] =	wrdreg s5  }
0xb0: {  	[dreg:$0x3] =	wrdreg s7  }
0xb1: {  	[dreg:$0x4] =	wrdreg $0xC0  }
0xb2: {  	_ =	task [dreg:s9], $0x5FFFF  }
0xb3: {  	[dreg:$0x1] =	wrdreg $0xFFFFFFFF  }
0xb4: {  	[dreg:$0x0] =	wrdreg $0x60  }
0xb5: {  	[dreg:$0x2] =	wrdreg s15  }
0xb6: {  	[dreg:$0x3] =	wrdreg s4  }
0xb7: {  	[dreg:$0x4] =	wrdreg s16  }
0xb8: {  	[dreg:$0x5] =	wrdreg s24  }
0xb9: {  	[dreg:$0x6] =	wrdreg $0x9  }
0xba: {  	_ =	task.clear_ibuf [dreg:s9], $0x7FFFF;
	_ =	strace $0x90000046  }
0xbb: {  	s29 =	simm.s32 $0x9;
	_ =	strace $0x80000048  }
0xbc: {  	_ =	swait.ge [sflag:s29], $0x1  }
0xbd: {  	[sflag:s29] =	ssyncadd.s32 $0xFFFFFFFF  }
0xbe: {  	_ =	strace $0x90000048  }
0xbf: {  	_ =	sfence  }
0xc0: {  	s30 =	sld [smem:$0x0];
	_ =	sdelay $0x2  }
0xc1: {  	s31 =	sshll.u32 s1, $0xD;
	s1 =	sshrl.u32 s1, $0x2  }
0xc2: {  	s3 =	sand.u32 $0x4000, s31;
	s1 =	sadd.s32 s1, s30  }
0xc3: {  	s0 =	sor.u32 s3, s0;
	s1 =	sshll.u32 s1, $0x11  }
0xc4: {  	s0 =	sor.u32 s1, s0  }
0xc5: {  	s0 =	sadd.s32 $0x8F2B, s0  }
0xc6: {  	[sflag:s0] =	ssyncadd.remote.s32 $0x1  }
0xc7: {  	_ =	sfence.sel $0xFFFF  }
0xc8: {  	[dreg:$0x0] =	wrdreg $0xFFFFFFFF;
	(pc) =	sbr.abs _section_cstart, $3  }
0xc9: {  	[dreg:$0x1] =	wrdreg $0xFFFFFFFF  }
0xca: {  	_ =	task.clear_ibuf [dreg:s9], $0x2FFFF;
	_ =	strace $0x9FFFFFFF  }
0xcb: {  	(tm) =	ssettm $0x7FFFFFFF  }
tec
execute0_lowered:
.L_overlay_start_1:
0x0: {  	(tag) =	ssettag $0x1  }
0x1: {  	s1 =	rddreg [dreg:$0x0]  }
0x2: {  	s2 =	rddreg [dreg:$0x1]  }
0x3: {  	s4 =	rddreg [dreg:$0x2]  }
0x4: {  	s6 =	rddreg [dreg:$0x3]  }
0x5: {  	s0 =	rddreg [dreg:$0x4];
	s7 =	srdreg.scid  }
0x6: {  	s3 =	stileid.u32;
	s5 =	simm.s32 $0x0;
	s13 =	simm.s32 $0x2  }
0x7: {  	s14 =	simm.s32 $0x0;
	s7 =	sand.u32 $0x1, s7;
	s8 =	sshll.u32 s3, $0x1  }
0x8: {  	[smem:$0x7FF] =	sst s5;
	s11 =	sshll.u32 s3, $0xF;
	s8 =	sor.u32 s7, s8  }
0x9: {  	_ =	strace $0x80000047;
	s7 =	ssub.s32 $0x2, s7;
	s9 =	sshll.u32 s8, $0x4  }
0xa: {  	v0 =	vlaneseq.u32;
	s10 =	sshrl.u32 s7, $0x1;
	s8 =	sshll.u32 s8, $0x7;
	s12 =	sadd.s32 s9, s6  }
0xb: {  	v2 =	vimm.s32 $0x0;
	v3 =	vor.u32 $0x10, v0;
	s10 =	ssub.s32 s7, s10;
	s31 =	sor.u32 s8, s11;
	v1 =	vmov s9;
	s9 =	simm.s32 $0x2000  }
0xc: {  	v4 =	vor.u32 $0x20, v0;
	v5 =	vor.u32 $0x30, v0;
	v6 =	vor.u32 $0x40, v0;
	s11 =	simm.s32 $0x4000;
	s6 =	sand.u32 $0x60380, s31;
	s7 =	sadd.s32 $0x800, s12  }
0xd: {  	v7 =	vor.u32 $0x50, v0;
	v8 =	vor.u32 $0x60, v0;
	v9 =	vor.u32 $0x70, v0;
	s8 =	smax.u32 s10, $0x1;
	s10 =	simm.s32 $0x1;
	s12 =	simm.s32 $0x4100  }
.LBB2_1:
0xe: {  	p1 =	por $0x1, $0x1  }
0xf: {  	s15 =	simm.s32 $0x0;
	s18 =	simm.s32 $0x0;
	s17 =	simm.s32 $0x0  }
.LBB2_2:
0x10: {  	s19 =	sadd.s32 s1, s17;
	s16 =	simm.s32 $0x0  }
0x11: {  	[tilespmem:s16], [sflag:$0x1] =	stream.linear.gather [hbm4b:s19+s16], $0x2000, $0x38;
	[tilespmem:$0x4180] =	vst v63  }
0x12: {  	s31 =	sadd.s32 s2, s17  }
0x13: {  	[tilespmem:s9], [sflag:$0x1] =	stream.linear.gather [hbm4b:s31+s16], $0x2000, $0x38;
	[tilespmem:$0x4180] =	vst v63  }
0x14: {  	_ =	swait.ge [sflag:s10], $0x2000  }
0x15: {  	[sflag:s10] =	ssyncset.done $0x0  }
0x16: {  	[sflag:s10] =	ssyncadd.s32 $0xFFFFE000  }
0x17: {  	_ =	swait.ge [sflag:s10], $0x2000  }
0x18: {  	[sflag:s10] =	ssyncset.done $0x0  }
0x19: {  	p0 =	por p1, p1;
	[sflag:s10] =	ssyncadd.s32 $0xFFFFE000  }
.LBB2_3:
0x1a: {  	s17 =	sshra.s32 s16, $0x2  }
0x1b: {  	v10 =	vld [tilespmem:s17+$0x2000];
	_ =	sdelay $0x4  }
0x1c: {  	v10 =	vsub.s32 v10, v1  }
0x1d: {  	vm0 =	vlt.u32 v10, $0x10  }
0x1e: {  	v11 =	vsel vm0, $0x1, v2  }
0x1f: {  	(xrf0) =	vadd.scan.msk.s32 $0xffff, v11;
	_ =	sdelay $0x5  }
0x20: {  	s19 =	sadd.s32 $0xFFFFFFFF, s18;
	v11 =	vld [tilespmem:s17+$0x0];
	v12, _, _ =	vpop (xrf0)  }
0x21: {  	v13 =	vadd.s32 s19, v12;
	_ =	sdelay $0x2  }
0x22: {  	v10 =	vshll.u32 v10, $0xE;
	(v2sf) =	vpush v12, $0xF  }
0x23: {  	v10 =	vadd.s32 v11, v10  }
0x24: {  	[tilespmem:v13+s11+$0x0] =	vst.idx.msk vm0, v10  }
0x25: {  	v10 =	vld [tilespmem:s17+$0x2010];
	_ =	sdelay $0x4  }
0x26: {  	v10 =	vsub.s32 v10, v1  }
0x27: {  	vm9 =	vlt.u32 v10, $0x10  }
0x28: {  	v11 =	vsel vm9, $0x1, v2  }
0x29: {  	(xrf0) =	vadd.scan.msk.s32 $0xffff, v11;
	_ =	sdelay $0x3  }
0x2a: {  	s21 =	spop (v2sf)  }
0x2b: {  	s22 =	sadd.s32 s18, s21  }
0x2c: {  	v11 =	vld [tilespmem:s17+$0x10];
	s19 =	sadd.s32 $0xFFFFFFFF, s22;
	v51, _, _ =	vpop (xrf0)  }
0x2d: {  	v52 =	vadd.s32 s19, v51;
	_ =	sdelay $0x2  }
0x2e: {  	v10 =	vshll.u32 v10, $0xE;
	(v2sf) =	vpush v51, $0xF  }
0x2f: {  	v10 =	vadd.s32 v11, v10  }
0x30: {  	[tilespmem:v52+s11+$0x0] =	vst.idx.msk vm9, v10  }
0x31: {  	v10 =	vld [tilespmem:s17+$0x2020];
	_ =	sdelay $0x4  }
0x32: {  	v10 =	vsub.s32 v10, v1  }
0x33: {  	vm10 =	vlt.u32 v10, $0x10  }
0x34: {  	v11 =	vsel vm10, $0x1, v2  }
0x35: {  	(xrf0) =	vadd.scan.msk.s32 $0xffff, v11;
	_ =	sdelay $0x3  }
0x36: {  	s23 =	spop (v2sf)  }
0x37: {  	s18 =	sadd.s32 s22, s23  }
0x38: {  	v11 =	vld [tilespmem:s17+$0x20];
	s19 =	sadd.s32 $0xFFFFFFFF, s18;
	v53, _, _ =	vpop (xrf0)  }
0x39: {  	v54 =	vadd.s32 s19, v53;
	_ =	sdelay $0x2  }
0x3a: {  	v10 =	vshll.u32 v10, $0xE;
	(v2sf) =	vpush v53, $0xF  }
0x3b: {  	v10 =	vadd.s32 v11, v10  }
0x3c: {  	[tilespmem:v54+s11+$0x0] =	vst.idx.msk vm10, v10  }
0x3d: {  	v10 =	vld [tilespmem:s17+$0x2030];
	_ =	sdelay $0x4  }
0x3e: {  	v10 =	vsub.s32 v10, v1  }
0x3f: {  	vm11 =	vlt.u32 v10, $0x10  }
0x40: {  	v11 =	vsel vm11, $0x1, v2  }
0x41: {  	(xrf0) =	vadd.scan.msk.s32 $0xffff, v11;
	_ =	sdelay $0x3  }
0x42: {  	s24 =	spop (v2sf)  }
0x43: {  	s18 =	sadd.s32 s18, s24  }
0x44: {  	v11 =	vld [tilespmem:s17+$0x30];
	s19 =	sadd.s32 $0xFFFFFFFF, s18;
	v55, _, _ =	vpop (xrf0)  }
0x45: {  	v56 =	vadd.s32 s19, v55;
	_ =	sdelay $0x2  }
0x46: {  	v10 =	vshll.u32 v10, $0xE;
	(v2sf) =	vpush v55, $0xF  }
0x47: {  	v10 =	vadd.s32 v11, v10  }
0x48: {  	[tilespmem:v56+s11+$0x0] =	vst.idx.msk vm11, v10  }
0x49: {  	v10 =	vld [tilespmem:s17+$0x2040];
	_ =	sdelay $0x4  }
0x4a: {  	v10 =	vsub.s32 v10, v1  }
0x4b: {  	vm12 =	vlt.u32 v10, $0x10  }
0x4c: {  	v11 =	vsel vm12, $0x1, v2  }
0x4d: {  	(xrf0) =	vadd.scan.msk.s32 $0xffff, v11;
	_ =	sdelay $0x3  }
0x4e: {  	s25 =	spop (v2sf)  }
0x4f: {  	s18 =	sadd.s32 s18, s25  }
0x50: {  	v11 =	vld [tilespmem:s17+$0x40];
	s19 =	sadd.s32 $0xFFFFFFFF, s18;
	v57, _, _ =	vpop (xrf0)  }
0x51: {  	v58 =	vadd.s32 s19, v57;
	_ =	sdelay $0x2  }
0x52: {  	v10 =	vshll.u32 v10, $0xE;
	(v2sf) =	vpush v57, $0xF  }
0x53: {  	v10 =	vadd.s32 v11, v10  }
0x54: {  	[tilespmem:v58+s11+$0x0] =	vst.idx.msk vm12, v10  }
0x55: {  	v10 =	vld [tilespmem:s17+$0x2050];
	_ =	sdelay $0x4  }
0x56: {  	v10 =	vsub.s32 v10, v1  }
0x57: {  	vm13 =	vlt.u32 v10, $0x10  }
0x58: {  	v11 =	vsel vm13, $0x1, v2  }
0x59: {  	(xrf0) =	vadd.scan.msk.s32 $0xffff, v11;
	_ =	sdelay $0x3  }
0x5a: {  	s26 =	spop (v2sf)  }
0x5b: {  	s18 =	sadd.s32 s18, s26  }
0x5c: {  	v11 =	vld [tilespmem:s17+$0x50];
	s19 =	sadd.s32 $0xFFFFFFFF, s18;
	v59, _, _ =	vpop (xrf0)  }
0x5d: {  	v60 =	vadd.s32 s19, v59;
	_ =	sdelay $0x2  }
0x5e: {  	v10 =	vshll.u32 v10, $0xE;
	(v2sf) =	vpush v59, $0xF  }
0x5f: {  	v10 =	vadd.s32 v11, v10  }
0x60: {  	[tilespmem:v60+s11+$0x0] =	vst.idx.msk vm13, v10  }
0x61: {  	v10 =	vld [tilespmem:s17+$0x2060];
	_ =	sdelay $0x4  }
0x62: {  	v10 =	vsub.s32 v10, v1  }
0x63: {  	vm14 =	vlt.u32 v10, $0x10  }
0x64: {  	v11 =	vsel vm14, $0x1, v2  }
0x65: {  	(xrf0) =	vadd.scan.msk.s32 $0xffff, v11;
	_ =	sdelay $0x3  }
0x66: {  	s28 =	spop (v2sf)  }
0x67: {  	s18 =	sadd.s32 s18, s28  }
0x68: {  	v11 =	vld [tilespmem:s17+$0x60];
	s19 =	sadd.s32 $0xFFFFFFFF, s18;
	v61, _, _ =	vpop (xrf0)  }
0x69: {  	v62 =	vadd.s32 s19, v61;
	_ =	sdelay $0x2  }
0x6a: {  	v10 =	vshll.u32 v10, $0xE  }
0x6b: {  	v10 =	vadd.s32 v11, v10  }
0x6c: {  	[tilespmem:v62+s11+$0x0] =	vst.idx.msk vm14, v10  }
0x6d: {  	v10 =	vld [tilespmem:s17+$0x2070];
	_ =	sdelay $0x4  }
0x6e: {  	v10 =	vsub.s32 v10, v1  }
0x6f: {  	vm15 =	vlt.u32 v10, $0x10  }
0x70: {  	v11 =	vsel vm15, $0x1, v2  }
0x71: {  	(xrf0) =	vadd.scan.msk.s32 $0xffff, v11;
	_ =	sdelay $0x4  }
0x72: {  	(v2sf) =	vpush v61, $0xF  }
0x73: {  	v11, _, _ =	vpop (xrf0)  }
0x74: {  	(v2sf) =	vpush v11, $0xF;
	_ =	sdelay $0xc  }
0x75: {  	s29 =	spop (v2sf)  }
0x76: {  	s18 =	sadd.s32 s18, s29  }
0x77: {  	v63 =	vld [tilespmem:s17+$0x70];
	s30 =	sadd.s32 $0xFFFFFFFF, s18;
	s31 =	spop (v2sf)  }
0x78: {  	v11 =	vadd.s32 s30, v11;
	s18 =	sadd.s32 s18, s31  }
0x79: {  	p1 =	slt.s32 s18, $0x80  }
0x7a: {  	s17 =	sshll.u32 @!p1 s15, $0xA  }
0x7b: {  	v10 =	vshll.u32 v10, $0xE;
	s17 =	sadd.s32 @!p1 s6, s17  }
0x7c: {  	v10 =	vadd.s32 v63, v10;
	s17 =	sshrl.u32 @!p1 s17, $0x3  }
0x7d: {  	[tilespmem:v11+s11+$0x0] =	vst.idx.msk vm15, v10;
	s19 =	simm.s32 @!p1 $0x0;
	s20 =	simm.s32 @!p1 $0x4000;
	s17 =	sadd.s32 @!p1 s4, s17  }
0x7e: {  	[hbm4b:s17+s19] =	stream.linear.scatter @!p1 [tilespmem:s20], [sflag:$0x1], $0x80, $0x38;
	[tilespmem:$0x4180] =	vst v63  }
0x7f: {  	s17 =	simm.s32 @!p1 $0x1  }
0x80: {  	_ =	swait.ge @!p1 [sflag:s17], $0x80  }
0x81: {  	[sflag:s17] =	ssyncset.done @!p1 $0x0  }
0x82: {  	[sflag:s17] =	ssyncadd.s32 @!p1 $0xFFFFFF80  }
0x83: {  	v10 =	vld @!p1 [tilespmem:$0x4080]  }
0x84: {  	v11 =	vld @!p1 [tilespmem:$0x4090]  }
0x85: {  	v12 =	vld @!p1 [tilespmem:$0x40A0]  }
0x86: {  	v13 =	vld @!p1 [tilespmem:$0x40B0]  }
0x87: {  	v14 =	vld @!p1 [tilespmem:$0x40C0]  }
0x88: {  	[tilespmem:$0x4000] =	vst @!p1 v10;
	v10 =	vld @!p1 [tilespmem:$0x40D0]  }
0x89: {  	s16 =	sadd.s32 $0x200, s16;
	[tilespmem:$0x4010] =	vst @!p1 v11;
	v11 =	vld @!p1 [tilespmem:$0x40E0]  }
0x8a: {  	p3 =	sne.s32 s16, $0x8000;
	[tilespmem:$0x4020] =	vst @!p1 v12;
	v12 =	vld @!p1 [tilespmem:$0x40F0]  }
.Ltmp0:
0x8b: {  	[tilespmem:$0x4030] =	vst @!p1 v13;
	(pc) =	sbr.rel @p3 .LBB2_3-.Ltmp0, $4  }
0x8c: {  	[tilespmem:$0x4040] =	vst @!p1 v14  }
0x8d: {  	p2 =	sgt.s32 s18, $0x7F;
	s17 =	simm.s32 $0x1;
	[tilespmem:$0x4050] =	vst @!p1 v10  }
0x8e: {  	s19 =	sadd.s32 $0xFFFFFF80, s18;
	s17 =	simm.s32 @!p2 $0x0;
	[tilespmem:$0x4060] =	vst @!p1 v11  }
0x8f: {  	s18 =	smov.u32 @p2 s19;
	s15 =	sadd.s32 s17, s15;
	[tilespmem:$0x4070] =	vst @!p1 v12  }
.Ltmp1:
0x90: {  	(pc) =	sbr.rel @p0 .LBB2_2-.Ltmp1, $2  }
0x91: {  	_ =	sdelay $0x2  }
0x92: {  	s17 =	simm.s32 $0x400;
	p1 =	por $0x0, $0x0  }
0x93: {  	p0 =	sgt.s32 s18, $0x0;
	p1 =	seq.s32 s15, $0x0  }
0x94: {  	p0 =	por p0, p1  }
0x95: {  	v10 =	vld @p0 [tilespmem:$0x4000]  }
0x96: {  	v11 =	vld @p0 [tilespmem:$0x4010]  }
0x97: {  	v12 =	vld @p0 [tilespmem:$0x4020]  }
0x98: {  	v13 =	vmov @p0 s18;
	v14 =	vld @p0 [tilespmem:$0x4030]  }
0x99: {  	v15 =	vld @p0 [tilespmem:$0x4040];
	vm0 =	vgt.s32 @p0 v13, v0  }
0x9a: {  	v16 =	vld @p0 [tilespmem:$0x4050];
	v10 =	vnsel @p0 vm0, $0x40000, v10;
	vm0 =	vgt.s32 @p0 v13, v3  }
0x9b: {  	[tilespmem:$0x4000] =	vst @p0 v10;
	v10 =	vnsel @p0 vm0, $0x40000, v11;
	vm0 =	vgt.s32 @p0 v13, v4;
	v11 =	vld @p0 [tilespmem:$0x4060]  }
0x9c: {  	[tilespmem:$0x4010] =	vst @p0 v10;
	v10 =	vnsel @p0 vm0, $0x40000, v12;
	vm0 =	vgt.s32 @p0 v13, v5;
	v12 =	vld @p0 [tilespmem:$0x4070]  }
0x9d: {  	[tilespmem:$0x4020] =	vst @p0 v10;
	v10 =	vnsel @p0 vm0, $0x40000, v14;
	vm0 =	vgt.s32 @p0 v13, v6  }
0x9e: {  	[tilespmem:$0x4030] =	vst @p0 v10;
	v10 =	vnsel @p0 vm0, $0x40000, v15;
	vm0 =	vgt.s32 @p0 v13, v7  }
0x9f: {  	s16 =	sshll.u32 @p0 s15, $0xA;
	[tilespmem:$0x4040] =	vst @p0 v10;
	v10 =	vnsel @p0 vm0, $0x40000, v16;
	vm0 =	vgt.s32 @p0 v13, v8  }
0xa0: {  	s16 =	sadd.s32 @p0 s6, s16;
	[tilespmem:$0x4050] =	vst @p0 v10;
	v10 =	vnsel @p0 vm0, $0x40000, v11;
	vm0 =	vgt.s32 @p0 v13, v9  }
0xa1: {  	s16 =	sshrl.u32 @p0 s16, $0x3;
	[tilespmem:$0x4060] =	vst @p0 v10;
	v10 =	vnsel @p0 vm0, $0x40000, v12  }
0xa2: {  	s16 =	sadd.s32 @p0 s4, s16;
	[tilespmem:$0x4070] =	vst @p0 v10  }
0xa3: {  	[hbm4b:s16+s5] =	stream.linear.scatter @p0 [tilespmem:s11], [sflag:$0x1], $0x80, $0x38;
	[tilespmem:$0x4180] =	vst v63  }
0xa4: {  	_ =	swait.ge @p0 [sflag:s10], $0x80  }
0xa5: {  	[sflag:s10] =	ssyncset.done @p0 $0x0  }
0xa6: {  	[sflag:s10] =	ssyncadd.s32 @p0 $0xFFFFFF80  }
0xa7: {  	v10 =	vld @p0 [tilespmem:$0x4080]  }
0xa8: {  	v11 =	vld @p0 [tilespmem:$0x4090]  }
0xa9: {  	v12 =	vld @p0 [tilespmem:$0x40A0]  }
0xaa: {  	v13 =	vld @p0 [tilespmem:$0x40B0]  }
0xab: {  	v14 =	vld @p0 [tilespmem:$0x40C0]  }
0xac: {  	[tilespmem:$0x4000] =	vst @p0 v10;
	v10 =	vld @p0 [tilespmem:$0x40D0]  }
0xad: {  	[tilespmem:$0x4010] =	vst @p0 v11;
	v11 =	vld @p0 [tilespmem:$0x40E0]  }
0xae: {  	[tilespmem:$0x4020] =	vst @p0 v12;
	v12 =	vld @p0 [tilespmem:$0x40F0]  }
0xaf: {  	s16 =	simm.s32 $0x1;
	[tilespmem:$0x4030] =	vst @p0 v13  }
0xb0: {  	s16 =	simm.s32 @!p0 $0x0;
	[tilespmem:$0x4040] =	vst @p0 v14  }
0xb1: {  	s15 =	sadd.s32 s16, s15;
	[tilespmem:$0x4050] =	vst @p0 v10  }
0xb2: {  	s16 =	sand.u32 $0x80000001, s15;
	[tilespmem:$0x4060] =	vst @p0 v11  }
0xb3: {  	[tilespmem:$0x4070] =	vst @p0 v12;
	p0 =	sne.s32 s16, $0x1  }
0xb4: {  	v10 =	vimm.s32 @!p0 $0x40000  }
0xb5: {  	[tilespmem:$0x4000] =	vst @!p0 v10  }
0xb6: {  	[tilespmem:$0x4010] =	vst @!p0 v10  }
0xb7: {  	[tilespmem:$0x4020] =	vst @!p0 v10  }
0xb8: {  	[tilespmem:$0x4030] =	vst @!p0 v10  }
0xb9: {  	s17 =	sshll.u32 @!p0 s15, $0xA;
	[tilespmem:$0x4040] =	vst @!p0 v10  }
0xba: {  	[tilespmem:$0x4050] =	vst @!p0 v10;
	s17 =	sadd.s32 @!p0 s6, s17  }
0xbb: {  	[tilespmem:$0x4060] =	vst @!p0 v10;
	s17 =	sshrl.u32 @!p0 s17, $0x3  }
0xbc: {  	s18 =	simm.s32 @!p0 $0x0;
	s19 =	simm.s32 @!p0 $0x4000;
	[tilespmem:$0x4070] =	vst @!p0 v10;
	s17 =	sadd.s32 @!p0 s4, s17  }
0xbd: {  	[hbm4b:s17+s18] =	stream.linear.scatter @!p0 [tilespmem:s19], [sflag:$0x1], $0x80, $0x38;
	[tilespmem:$0x4180] =	vst v63  }
0xbe: {  	s17 =	simm.s32 @!p0 $0x1  }
0xbf: {  	_ =	swait.ge @!p0 [sflag:s17], $0x80  }
0xc0: {  	[sflag:s17] =	ssyncset.done @!p0 $0x0  }
0xc1: {  	[sflag:s17] =	ssyncadd.s32 @!p0 $0xFFFFFF80  }
0xc2: {  	v10 =	vld @!p0 [tilespmem:$0x4080]  }
0xc3: {  	v11 =	vld @!p0 [tilespmem:$0x4090]  }
0xc4: {  	v12 =	vld @!p0 [tilespmem:$0x40A0]  }
0xc5: {  	v13 =	vld @!p0 [tilespmem:$0x40B0]  }
0xc6: {  	v14 =	vld @!p0 [tilespmem:$0x40C0]  }
0xc7: {  	[tilespmem:$0x4000] =	vst @!p0 v10;
	v10 =	vld @!p0 [tilespmem:$0x40D0]  }
0xc8: {  	[tilespmem:$0x4010] =	vst @!p0 v11;
	v11 =	vld @!p0 [tilespmem:$0x40E0]  }
0xc9: {  	[tilespmem:$0x4020] =	vst @!p0 v12;
	v12 =	vld @!p0 [tilespmem:$0x40F0]  }
0xca: {  	[tilespmem:$0x4030] =	vst @!p0 v13  }
0xcb: {  	p1 =	seq.s32 s16, $0x1;
	s16 =	simm.s32 $0x1;
	[tilespmem:$0x4040] =	vst @!p0 v14  }
0xcc: {  	s16 =	simm.s32 @!p1 $0x0;
	[tilespmem:$0x4050] =	vst @!p0 v10  }
0xcd: {  	s14 =	sadd.s32 $0x1, s14;
	s15 =	sadd.s32 s16, s15;
	[tilespmem:$0x4060] =	vst @!p0 v11  }
0xce: {  	[tilespmem:$0x4070] =	vst @!p0 v12;
	v10 =	vmov s15;
	p0 =	sne.s32 s14, s8  }
.Ltmp2:
0xcf: {  	[tilespmem:$0x4100] =	vst v10;
	(pc) =	sbr.rel @p0 .LBB2_1-.Ltmp2, $4  }
0xd0: {  	[hbm4b:s7+s5] =	stream.linear.scatter [tilespmem:s12], [sflag:$0x2], $0x80, $0x38;
	[tilespmem:$0x4180] =	vst v63  }
0xd1: {  	_ =	swait.ge [sflag:s13], $0x80  }
0xd2: {  	[sflag:s13] =	ssyncset.done $0x0  }
0xd3: {  	[sflag:s13] =	ssyncadd.s32 $0xFFFFFF80  }
0xd4: {  	_ =	sfence.sel $0x180000  }
0xd5: {  	[bflag:$0x0] =	sbarrier.arrive $0xFFFF  }
0xd6: {  	p0 =	sne.s32 s3, $0x0;
	_ =	strace $0x90000047  }
0xd7: {  	s0 =	sadd.s32 @!p0 $0x100000, s0;
	[bflag:$0x2] =	sbarrier.arrive $0xFFFF  }
0xd8: {  	[sflag:s0] =	ssyncadd.tile.s32 @!p0 $0x1;
	_ =	shalt  }
.Lfunc_end2:
_tile_overlayer_lowered:
.L_overlay_start_2:
0xd9: {  	(tag) =	ssettag $0x2  }
0xda: {  	s0 =	rddreg [dreg:$0x0];
	s2 =	stileid.u32  }
0xdb: {  	s1 =	rddreg [dreg:$0x1];
	p0 =	sne.s32 s2, $0x0  }
0xdc: {  	s3 =	rddreg [dreg:$0x2];
	[bflag:$0x3] =	sbarrier.arrive $0xFFFF;
	s2 =	simm.s32 @!p0 $0x1C02  }
0xdd: {  	[timem:s3], [sflag:s2] =	dma.local @!p0 [hbm:s0], s1  }
0xde: {  	s0 =	simm.s32 @!p0 $0x2  }
0xdf: {  	_ =	swait.ge @!p0 [sflag:s0], s1  }
0xe0: {  	s1 =	ssub.s32 @!p0 $0x0, s1;
	[sflag:s0] =	ssyncset.done @!p0 $0x0  }
0xe1: {  	[sflag:s0] =	ssyncadd.s32 @!p0 s1  }
0xe2: {  	[bflag:$0x3] =	sbarrier.arrive $0xFFFF  }
0xe3: {  	_ =	shalt  }

</sc_bundles>
